<compile_context>
chip_gen: v7x
topology: tpu7x:2x2x1
jax: 0.10.2.dev20260603
libtpu: 0.0.44.dev20260713+nightly
codegen_flags: <defaults>
</compile_context>

<pallas_src>
import functools

import jax
import jax.numpy as jnp
from jax import lax
from jax.experimental import pallas as pl
from jax.experimental.pallas import tpu as pltpu
from jax.experimental.pallas import tpu_sc as plsc

EPS = 1e-5
K = 64
NC = 2
NS = 16
NW = NC * NS


def _sc_degree(nw, nchunk, npad, stripe):
    mesh = plsc.VectorSubcoreMesh(core_axis_name="c", subcore_axis_name="s")

    @functools.partial(
        pl.kernel,
        out_type=jax.ShapeDtypeStruct((NC, npad), jnp.float32),
        mesh=mesh,
        scratch_types=[
            pltpu.VMEM((nchunk, K), jnp.int32),
            pltpu.VMEM((K,), jnp.float32),
            pltpu.VMEM((stripe,), jnp.float32),
            pltpu.VMEM_SHARED((npad,), jnp.float32),
            pltpu.SemaphoreType.DMA,
        ],
    )
    def deg_kernel(dst_hbm, out_hbm, dstv, onesv, zv, deg_sh, ssem):
        c = lax.axis_index("c")
        s = lax.axis_index("s")
        wid = s * NC + c
        pltpu.sync_copy(dst_hbm.at[wid], dstv)
        ones16 = jnp.full((16,), 1.0, jnp.float32)
        zero16 = jnp.zeros((16,), jnp.float32)
        for i in range(K // 16):
            onesv[pl.ds(i * 16, 16)] = ones16

        def zbody(i, carry):
            zv[pl.ds(i * 16, 16)] = zero16
            return carry

        lax.fori_loop(0, stripe // 16, zbody, 0)
        pltpu.sync_copy(zv, deg_sh.at[pl.ds(s * stripe, stripe)])
        plsc.subcore_barrier()

        rd = 8

        def body(j, carry):
            @pl.when(j >= rd)
            def _():
                pltpu.make_async_copy(onesv, deg_sh.at[dstv.at[0]],
                                      ssem).wait()

            pltpu.async_copy(onesv, deg_sh.at[dstv.at[j]], ssem, add=True)
            return carry

        lax.fori_loop(0, nchunk, body, 0)

        def drain(j, carry):
            pltpu.make_async_copy(onesv, deg_sh.at[dstv.at[0]], ssem).wait()
            return carry

        lax.fori_loop(0, min(rd, nchunk), drain, 0)
        plsc.subcore_barrier()
        pltpu.sync_copy(deg_sh.at[pl.ds(s * stripe, stripe)],
                        out_hbm.at[c, pl.ds(s * stripe, stripe)])

    return deg_kernel


def _sc_aggregate(nw, nchunk, npad, stripe, d):
    mesh = plsc.VectorSubcoreMesh(core_axis_name="c", subcore_axis_name="s")

    nbuf = 5
    G = 16
    ngrp = nchunk // G
    assert nchunk % G == 0 and ngrp > 2 and nbuf <= G

    @functools.partial(
        pl.kernel,
        out_type=jax.ShapeDtypeStruct((NC, npad, d), jnp.float32),
        mesh=mesh,
        scratch_types=[
            pltpu.VMEM((2, G, K), jnp.int32),
            pltpu.VMEM((2, G, K), jnp.int32),
            pltpu.VMEM((nbuf, K, d), jnp.float32),
            pltpu.VMEM_SHARED((npad, d), jnp.float32),
            pltpu.SemaphoreType.DMA((nbuf,)),
            pltpu.SemaphoreType.DMA((2,)),
        ],
    )
    def agg_kernel(scaled_hbm, src_hbm, dst_hbm, out_hbm,
                   srcg, dstg, rows, acc_sh, gsems, isems):
        c = lax.axis_index("c")
        s = lax.axis_index("s")
        wid = s * NC + c

        def start_grp(g, slot):
            pltpu.async_copy(src_hbm.at[wid, pl.ds(g * G, G)], srcg.at[slot],
                             isems.at[slot])
            pltpu.async_copy(dst_hbm.at[wid, pl.ds(g * G, G)], dstg.at[slot],
                             isems.at[slot])

        def wait_grp(slot):
            pltpu.make_async_copy(src_hbm.at[wid, pl.ds(0, G)], srcg.at[slot],
                                  isems.at[slot]).wait()
            pltpu.make_async_copy(dst_hbm.at[wid, pl.ds(0, G)], dstg.at[slot],
                                  isems.at[slot]).wait()

        start_grp(0, 0)
        start_grp(1, 1)
        zero16 = jnp.zeros((16,), jnp.float32)

        def zbody(i, carry):
            for j in range(d // 16):
                rows[0, i, pl.ds(j * 16, 16)] = zero16
            return carry

        lax.fori_loop(0, K, zbody, 0)
        for r in range(-(-stripe // K)):
            blk = min(K, stripe - r * K)
            pltpu.sync_copy(rows.at[0, pl.ds(0, blk)],
                            acc_sh.at[pl.ds(s * stripe + r * K, blk)])
        plsc.subcore_barrier()
        wait_grp(0)
        for i in range(nbuf):
            pltpu.async_copy(scaled_hbm.at[srcg.at[0, i]], rows.at[i],
                             gsems.at[i])

        def body(j, carry):
            rslot = lax.rem(j, nbuf)
            gj = j // G
            pltpu.make_async_copy(scaled_hbm.at[srcg.at[0, 0]],
                                  rows.at[rslot], gsems.at[rslot]).wait()
            pltpu.sync_copy(rows.at[rslot],
                            acc_sh.at[dstg.at[lax.rem(gj, 2), lax.rem(j, G)]],
                            add=True)

            @pl.when((lax.rem(j, G) == 0) & (j > 0) & (gj + 1 < ngrp))
            def _():
                start_grp(gj + 1, lax.rem(gj + 1, 2))

            t = j + nbuf

            @pl.when(t < nchunk)
            def _():
                tg = t // G

                @pl.when(lax.rem(t, G) == 0)
                def _():
                    wait_grp(lax.rem(tg, 2))

                pltpu.async_copy(
                    scaled_hbm.at[srcg.at[lax.rem(tg, 2), lax.rem(t, G)]],
                    rows.at[rslot], gsems.at[rslot])

            return carry

        lax.fori_loop(0, nchunk, body, 0)
        plsc.subcore_barrier()
        pltpu.sync_copy(acc_sh.at[pl.ds(s * stripe, stripe)],
                        out_hbm.at[c, pl.ds(s * stripe, stripe)])

    return agg_kernel


def _tc_scale(dp3, x, w, npad):
    n, _ = x.shape
    d = w.shape[1]

    def body(dp_ref, x_ref, w_ref, scaled_ref, dinv_ref):
        deg = dp_ref[0] + dp_ref[1] + 1.0
        dinv = lax.rsqrt(deg)
        dinv_n = dinv[:n]
        h = jnp.dot(x_ref[...], w_ref[...], preferred_element_type=jnp.float32)
        scaled_ref[:n] = h * dinv_n
        scaled_ref[n:] = jnp.zeros((npad - n, d), jnp.float32)
        dinv_ref[...] = dinv_n

    return pl.pallas_call(
        body,
        out_shape=[
            jax.ShapeDtypeStruct((npad, d), jnp.float32),
            jax.ShapeDtypeStruct((n, 1), jnp.float32),
        ],
    )(dp3, x, w)


def _tc_finish(partials, scaled, dinv, x, b2, gamma2, beta2):
    n, d = x.shape

    def body(p_ref, scaled_ref, dinv_ref, x_ref, b_ref, g_ref, be_ref, out_ref):
        agg = p_ref[0, :n] + p_ref[1, :n] + scaled_ref[:n]
        conv = agg * dinv_ref[...] + b_ref[...]
        mean = jnp.mean(conv, axis=0, keepdims=True)
        cm = conv - mean
        var = jnp.mean(cm * cm, axis=0, keepdims=True)
        hbn = g_ref[...] * cm * lax.rsqrt(var + EPS) + be_ref[...]
        out_ref[...] = jnp.maximum(jnp.maximum(hbn, 0.0) + x_ref[...], 0.0)

    return pl.pallas_call(
        body,
        out_shape=jax.ShapeDtypeStruct((n, d), jnp.float32),
    )(partials, scaled, dinv, x, b2, gamma2, beta2)


def kernel(x, edge_index, W, b, gamma, beta):
    n, d_in = x.shape
    d = W.shape[1]
    e = edge_index.shape[1]

    npad_deg = (n // 256 + 1) * 256
    npad = (n // 128 + 1) * 128
    stripe = npad // NS
    per_w = -(-e // NW)
    nchunk = -(-(-(-per_w // K)) // 16) * 16
    epad = NW * nchunk * K
    pad_cnt = epad - e

    pad_idx = n + (jnp.arange(pad_cnt, dtype=jnp.int32) % (npad - n))
    src = jnp.concatenate([edge_index[0], pad_idx]).reshape(NW, nchunk, K)
    dst = jnp.concatenate([edge_index[1], pad_idx]).reshape(NW, nchunk, K)

    degp = _sc_degree(NW, nchunk, npad_deg, npad_deg // NS)(dst)
    scaled, dinv = _tc_scale(degp.reshape(NC, npad_deg, 1), x, W, npad)
    partials = _sc_aggregate(NW, nchunk, npad, stripe, d)(scaled, src, dst)
    return _tc_finish(partials, scaled, dinv, x,
                      b.reshape(1, d), gamma.reshape(1, d), beta.reshape(1, d))

# --- scband reference (transcript-rebuilt; emitter-appended) ---
"""Pipeline reference for scband-residual-block-20375324852254 (READ-ONLY COPY).

The authoritative reference and input builder live on the scoring server;
editing this copy changes nothing except your own understanding.
"""

import jax, jax.numpy as jnp
import numpy as np

N_NODES = 10000
N_EDGES = 320000
D_IN = 128
D_OUT = 128
EPS = 1e-5


def setup_inputs(seed: int = 0) -> dict:
    key = jax.random.key(seed)
    k1, k2, k3 = jax.random.split(key, 3)
    x = jax.random.normal(k1, (N_NODES, D_IN), dtype=jnp.float32)
    edge_index = jax.random.randint(k2, (2, N_EDGES), 0, N_NODES, dtype=jnp.int32)
    # GCNConv linear weight, xavier_uniform with gain for relu
    gain = float(np.sqrt(2.0))
    limit = gain * float(np.sqrt(6.0 / (D_IN + D_OUT)))
    W = jax.random.uniform(k3, (D_IN, D_OUT), minval=-limit, maxval=limit, dtype=jnp.float32)
    b = jnp.zeros((D_OUT,), dtype=jnp.float32)
    gamma = jnp.ones((D_OUT,), dtype=jnp.float32)
    beta = jnp.zeros((D_OUT,), dtype=jnp.float32)
    return {"x": x, "edge_index": edge_index, "W": W, "b": b, "gamma": gamma, "beta": beta}


def gcn_conv(x, edge_index, W, b):
    N = x.shape[0]
    loop = jnp.arange(N, dtype=edge_index.dtype)
    src = jnp.concatenate([edge_index[0], loop])
    dst = jnp.concatenate([edge_index[1], loop])
    # symmetric normalization D^{-1/2} (A+I) D^{-1/2}
    deg = jnp.zeros((N,), dtype=jnp.float32).at[dst].add(1.0)
    dinv = jnp.where(deg > 0, jax.lax.rsqrt(deg), 0.0)
    norm = dinv[src] * dinv[dst]
    h = x @ W
    msg = h[src] * norm[:, None]
    out = jnp.zeros((N, W.shape[1]), dtype=jnp.float32).at[dst].add(msg)
    return out + b


def batch_norm(h, gamma, beta):
    mean = jnp.mean(h, axis=0)
    var = jnp.mean((h - mean) ** 2, axis=0)
    return gamma * (h - mean) * jax.lax.rsqrt(var + EPS) + beta


def reference(x, edge_index, W, b, gamma, beta):
    residual = x  # in_channels == out_channels -> Identity shortcut
    h = gcn_conv(x, edge_index, W, b)
    h = jax.nn.relu(batch_norm(h, gamma, beta))
    # dropout is identity in deterministic reference
    return jax.nn.relu(h + residual)

if __name__ == "__main__":
    import jax
    _d = setup_inputs()
    print(jax.jit(kernel)(*tuple(_d.values())))

</pallas_src>

<mosaic_0001>
#map = affine_map<(d0, d1) -> (0, 0, 0)>
#map1 = affine_map<(d0, d1) -> (0, 0)>
module attributes {stable_mosaic.version = 14 : i64} {
  func.func @deg_kernel(%arg0: i32, %arg1: i32, %arg2: memref<32x160x64xi32, #tpu.memory_space<hbm>>, %arg3: memref<2x10240xf32, #tpu.memory_space<hbm>>, %arg4: memref<160x64xi32, #tpu.memory_space<vmem>>, %arg5: memref<64xf32, #tpu.memory_space<vmem>>, %arg6: memref<640xf32, #tpu.memory_space<vmem>>, %arg7: memref<10240xf32, #tpu.memory_space<vmem_shared>>, %arg8: memref<!tpu.dma_semaphore, #tpu.memory_space<semaphore_mem>>) attributes {dimension_semantics = [#tpu.dimension_semantics<core_parallel>, #tpu.dimension_semantics<subcore_parallel>], iteration_bounds = array<i64: 2, 16>, scalar_prefetch = 0 : i64, scratch_operands = 5 : i64, tpu.core_type = #tpu.core_type<sc_vector_subcore>, window_params = [{transform_indices = #map}, {transform_indices = #map1}]} {
    %mul3A = arith.constant 2 : i32
    %mul3A_0 = arith.muli %arg1, %mul3A : i32
    %add3A = arith.addi %mul3A_0, %arg0 : i32
    "tpu.region"() ({
      %run_scoped3A = tpu.sem_alloc : memref<!tpu.dma_semaphore, #tpu.memory_space<semaphore_mem>>
      %dma_start3A = arith.constant 0 : i32
      %dma_start3A_43 = arith.constant 0 : i32
      %dma_start3A_44 = tpu.memref_slice %arg2[%add3A, %dma_start3A, %dma_start3A_43] : memref<32x160x64xi32, #tpu.memory_space<hbm>> -> memref<1x160x64xi32, #tpu.memory_space<hbm>>
      %dma_start3A_45 = tpu.memref_squeeze %dma_start3A_44 : memref<1x160x64xi32, #tpu.memory_space<hbm>> -> memref<160x64xi32, #tpu.memory_space<hbm>>
      %dma_start3A_46 = arith.constant 0 : i32
      %dma_start3A_47 = arith.constant 0 : i32
      %dma_start3A_48 = tpu.memref_slice %arg2[%add3A, %dma_start3A_46, %dma_start3A_47] : memref<32x160x64xi32, #tpu.memory_space<hbm>> -> memref<1x160x64xi32, #tpu.memory_space<hbm>>
      %dma_start3A_49 = tpu.memref_squeeze %dma_start3A_48 : memref<1x160x64xi32, #tpu.memory_space<hbm>> -> memref<160x64xi32, #tpu.memory_space<hbm>>
      tpu.enqueue_dma source(%dma_start3A_49 : memref<160x64xi32, #tpu.memory_space<hbm>>) target(%arg4 : memref<160x64xi32, #tpu.memory_space<vmem>>) target_semaphore(%run_scoped3A : memref<!tpu.dma_semaphore, #tpu.memory_space<semaphore_mem>>)
      %dma_wait3A = arith.constant 0 : i32
      %dma_wait3A_50 = arith.constant 0 : i32
      %dma_wait3A_51 = tpu.memref_slice %arg2[%add3A, %dma_wait3A, %dma_wait3A_50] : memref<32x160x64xi32, #tpu.memory_space<hbm>> -> memref<1x160x64xi32, #tpu.memory_space<hbm>>
      %dma_wait3A_52 = tpu.memref_squeeze %dma_wait3A_51 : memref<1x160x64xi32, #tpu.memory_space<hbm>> -> memref<160x64xi32, #tpu.memory_space<hbm>>
      %dma_wait3A_53 = arith.constant 0 : i32
      %dma_wait3A_54 = arith.constant 0 : i32
      %dma_wait3A_55 = tpu.memref_slice %arg2[%add3A, %dma_wait3A_53, %dma_wait3A_54] : memref<32x160x64xi32, #tpu.memory_space<hbm>> -> memref<1x160x64xi32, #tpu.memory_space<hbm>>
      %dma_wait3A_56 = tpu.memref_squeeze %dma_wait3A_55 : memref<1x160x64xi32, #tpu.memory_space<hbm>> -> memref<160x64xi32, #tpu.memory_space<hbm>>
      tpu.wait_dma2 semaphore(%run_scoped3A : memref<!tpu.dma_semaphore, #tpu.memory_space<semaphore_mem>>) src(%dma_wait3A_56 : memref<160x64xi32, #tpu.memory_space<hbm>>) dst(%arg4 : memref<160x64xi32, #tpu.memory_space<vmem>>)
      tpu.yield
    }) : () -> ()
    %broadcast_in_dim3A = arith.constant 1.000000e+00 : f32
    %broadcast_in_dim3A_1 = vector.broadcast %broadcast_in_dim3A : f32 to vector<16xf32>
    %broadcast_in_dim3A_2 = arith.constant 0.000000e+00 : f32
    %broadcast_in_dim3A_3 = vector.broadcast %broadcast_in_dim3A_2 : f32 to vector<16xf32>
    %swap3A = arith.constant 0 : index
    %swap3A_4 = tpu.vector_load %arg5[%swap3A] {strides = array<i32>} : memref<64xf32, #tpu.memory_space<vmem>>, vector<16xf32>,
    %swap3A_5 = vector.shape_cast %swap3A_4 : vector<16xf32> to vector<16xf32>
    %swap3A_6 = vector.shape_cast %broadcast_in_dim3A_1 : vector<16xf32> to vector<16xf32>
    tpu.vector_store %arg5[%swap3A], %swap3A_6 {strides = array<i32>} : memref<64xf32, #tpu.memory_space<vmem>>, vector<16xf32>,
    %swap3A_7 = arith.constant 16 : index
    %swap3A_8 = tpu.vector_load %arg5[%swap3A_7] {strides = array<i32>} : memref<64xf32, #tpu.memory_space<vmem>>, vector<16xf32>,
    %swap3A_9 = vector.shape_cast %swap3A_8 : vector<16xf32> to vector<16xf32>
    %swap3A_10 = vector.shape_cast %broadcast_in_dim3A_1 : vector<16xf32> to vector<16xf32>
    tpu.vector_store %arg5[%swap3A_7], %swap3A_10 {strides = array<i32>} : memref<64xf32, #tpu.memory_space<vmem>>, vector<16xf32>,
    %swap3A_11 = arith.constant 32 : index
    %swap3A_12 = tpu.vector_load %arg5[%swap3A_11] {strides = array<i32>} : memref<64xf32, #tpu.memory_space<vmem>>, vector<16xf32>,
    %swap3A_13 = vector.shape_cast %swap3A_12 : vector<16xf32> to vector<16xf32>
    %swap3A_14 = vector.shape_cast %broadcast_in_dim3A_1 : vector<16xf32> to vector<16xf32>
    tpu.vector_store %arg5[%swap3A_11], %swap3A_14 {strides = array<i32>} : memref<64xf32, #tpu.memory_space<vmem>>, vector<16xf32>,
    %swap3A_15 = arith.constant 48 : index
    %swap3A_16 = tpu.vector_load %arg5[%swap3A_15] {strides = array<i32>} : memref<64xf32, #tpu.memory_space<vmem>>, vector<16xf32>,
    %swap3A_17 = vector.shape_cast %swap3A_16 : vector<16xf32> to vector<16xf32>
    %swap3A_18 = vector.shape_cast %broadcast_in_dim3A_1 : vector<16xf32> to vector<16xf32>
    tpu.vector_store %arg5[%swap3A_15], %swap3A_18 {strides = array<i32>} : memref<64xf32, #tpu.memory_space<vmem>>, vector<16xf32>,
    %scan3A = arith.constant 0 : i32
    %scan3A_19 = arith.constant 0 : i32
    %scan3A_20 = arith.constant 40 : i32
    %scan3A_21 = arith.addi %scan3A_19, %scan3A_20 : i32
    %scan3A_22 = arith.constant 1 : i32
    scf.for %scan3A_43 = %scan3A_19 to %scan3A_21 step %scan3A_22  : i32 {
      %mul3A_44 = arith.constant 16 : i32
      %mul3A_45 = arith.muli %scan3A_43, %mul3A_44 : i32
      %swap3A_46 = arith.index_cast %mul3A_45 : i32 to index
      %swap3A_47 = tpu.vector_load %arg6[%swap3A_46] {strides = array<i32>} : memref<640xf32, #tpu.memory_space<vmem>>, vector<16xf32>,
      %swap3A_48 = vector.shape_cast %swap3A_47 : vector<16xf32> to vector<16xf32>
      %swap3A_49 = vector.shape_cast %broadcast_in_dim3A_3 : vector<16xf32> to vector<16xf32>
      tpu.vector_store %arg6[%swap3A_46], %swap3A_49 {strides = array<i32>} : memref<640xf32, #tpu.memory_space<vmem>>, vector<16xf32>,
    }
    %scan3A_23 = arith.constant 40 : i32
    %mul3A_24 = arith.constant 640 : i32
    %mul3A_25 = arith.muli %arg1, %mul3A_24 : i32
    "tpu.region"() ({
      %run_scoped3A = tpu.sem_alloc : memref<!tpu.dma_semaphore, #tpu.memory_space<semaphore_mem>>
      %dma_start3A = tpu.memref_slice %arg7[%mul3A_25] : memref<10240xf32, #tpu.memory_space<vmem_shared>> -> memref<640xf32, #tpu.memory_space<vmem_shared>>
      %dma_start3A_43 = tpu.memref_slice %arg7[%mul3A_25] : memref<10240xf32, #tpu.memory_space<vmem_shared>> -> memref<640xf32, #tpu.memory_space<vmem_shared>>
      tpu.enqueue_dma source(%arg6 : memref<640xf32, #tpu.memory_space<vmem>>) target(%dma_start3A_43 : memref<640xf32, #tpu.memory_space<vmem_shared>>) target_semaphore(%run_scoped3A : memref<!tpu.dma_semaphore, #tpu.memory_space<semaphore_mem>>)
      %dma_wait3A = tpu.memref_slice %arg7[%mul3A_25] : memref<10240xf32, #tpu.memory_space<vmem_shared>> -> memref<640xf32, #tpu.memory_space<vmem_shared>>
      %dma_wait3A_44 = tpu.memref_slice %arg7[%mul3A_25] : memref<10240xf32, #tpu.memory_space<vmem_shared>> -> memref<640xf32, #tpu.memory_space<vmem_shared>>
      tpu.wait_dma2 semaphore(%run_scoped3A : memref<!tpu.dma_semaphore, #tpu.memory_space<semaphore_mem>>) src(%arg6 : memref<640xf32, #tpu.memory_space<vmem>>) dst(%dma_wait3A_44 : memref<640xf32, #tpu.memory_space<vmem_shared>>)
      tpu.yield
    }) : () -> ()
    %barrier3A = arith.constant 0 : index
    tpu.barrier barrier_id(%barrier3A)
    %scan3A_26 = arith.constant 0 : i32
    %scan3A_27 = arith.constant 0 : i32
    %scan3A_28 = arith.constant 160 : i32
    %scan3A_29 = arith.addi %scan3A_27, %scan3A_28 : i32
    %scan3A_30 = arith.constant 1 : i32
    scf.for %scan3A_43 = %scan3A_27 to %scan3A_29 step %scan3A_30  : i32 {
      %ge3A = arith.constant 8 : i32
      %ge3A_44 = arith.cmpi sge, %scan3A_43, %ge3A : i32
      %convert_element_type3A = arith.extui %ge3A_44 : i1 to i32
      %cond3A = arith.constant 0 : i32
      %cond3A_45 = arith.cmpi ne, %convert_element_type3A, %cond3A : i32
      scf.if %cond3A_45 {
        %dma_wait3A = arith.constant 0 : i32
        %dma_wait3A_50 = arith.constant 0 : i32
        %dma_wait3A_51 = tpu.memref_slice %arg4[%dma_wait3A, %dma_wait3A_50] : memref<160x64xi32, #tpu.memory_space<vmem>> -> memref<1x64xi32, #tpu.memory_space<vmem>>
        %dma_wait3A_52 = tpu.memref_squeeze %dma_wait3A_51 : memref<1x64xi32, #tpu.memory_space<vmem>> -> memref<64xi32, #tpu.memory_space<vmem>>
        %dma_wait3A_53 = arith.constant 0 : i32
        %dma_wait3A_54 = tpu.memref_slice %arg7[%dma_wait3A_53] : memref<10240xf32, #tpu.memory_space<vmem_shared>> -> memref<10240xf32, #tpu.memory_space<vmem_shared>>
        tpu.wait_indirect_dma semaphore(%arg8 : memref<!tpu.dma_semaphore, #tpu.memory_space<semaphore_mem>>) src(%arg5 : memref<64xf32, #tpu.memory_space<vmem>>) dst(%dma_wait3A_54 : memref<10240xf32, #tpu.memory_space<vmem_shared>>)
      } else {
      }
      %dma_start3A = arith.constant 0 : i32
      %dma_start3A_46 = tpu.memref_slice %arg4[%scan3A_43, %dma_start3A] : memref<160x64xi32, #tpu.memory_space<vmem>> -> memref<1x64xi32, #tpu.memory_space<vmem>>
      %dma_start3A_47 = tpu.memref_squeeze %dma_start3A_46 : memref<1x64xi32, #tpu.memory_space<vmem>> -> memref<64xi32, #tpu.memory_space<vmem>>
      %dma_start3A_48 = arith.constant 0 : i32
      %dma_start3A_49 = tpu.memref_slice %arg7[%dma_start3A_48] : memref<10240xf32, #tpu.memory_space<vmem_shared>> -> memref<10240xf32, #tpu.memory_space<vmem_shared>>
      tpu.enqueue_indirect_dma source(%arg5 : memref<64xf32, #tpu.memory_space<vmem>>) target(%dma_start3A_49 : memref<10240xf32, #tpu.memory_space<vmem_shared>>) offsets(%dma_start3A_47 : memref<64xi32, #tpu.memory_space<vmem>>) semaphore(%arg8 : memref<!tpu.dma_semaphore, #tpu.memory_space<semaphore_mem>>) {add = true}
    }
    %scan3A_31 = arith.constant 160 : i32
    %scan3A_32 = arith.constant 0 : i32
    %scan3A_33 = arith.constant 0 : i32
    %scan3A_34 = arith.constant 8 : i32
    %scan3A_35 = arith.addi %scan3A_33, %scan3A_34 : i32
    %scan3A_36 = arith.constant 1 : i32
    scf.for %scan3A_43 = %scan3A_33 to %scan3A_35 step %scan3A_36  : i32 {
      %dma_wait3A = arith.constant 0 : i32
      %dma_wait3A_44 = arith.constant 0 : i32
      %dma_wait3A_45 = tpu.memref_slice %arg4[%dma_wait3A, %dma_wait3A_44] : memref<160x64xi32, #tpu.memory_space<vmem>> -> memref<1x64xi32, #tpu.memory_space<vmem>>
      %dma_wait3A_46 = tpu.memref_squeeze %dma_wait3A_45 : memref<1x64xi32, #tpu.memory_space<vmem>> -> memref<64xi32, #tpu.memory_space<vmem>>
      %dma_wait3A_47 = arith.constant 0 : i32
      %dma_wait3A_48 = tpu.memref_slice %arg7[%dma_wait3A_47] : memref<10240xf32, #tpu.memory_space<vmem_shared>> -> memref<10240xf32, #tpu.memory_space<vmem_shared>>
      tpu.wait_indirect_dma semaphore(%arg8 : memref<!tpu.dma_semaphore, #tpu.memory_space<semaphore_mem>>) src(%arg5 : memref<64xf32, #tpu.memory_space<vmem>>) dst(%dma_wait3A_48 : memref<10240xf32, #tpu.memory_space<vmem_shared>>)
    }
    %scan3A_37 = arith.constant 8 : i32
    %barrier3A_38 = arith.constant 0 : index
    tpu.barrier barrier_id(%barrier3A_38)
    %mul3A_39 = arith.constant 640 : i32
    %mul3A_40 = arith.muli %arg1, %mul3A_39 : i32
    %mul3A_41 = arith.constant 640 : i32
    %mul3A_42 = arith.muli %arg1, %mul3A_41 : i32
    "tpu.region"() ({
      %run_scoped3A = tpu.sem_alloc : memref<!tpu.dma_semaphore, #tpu.memory_space<semaphore_mem>>
      %dma_start3A = tpu.memref_slice %arg3[%arg0, %mul3A_42] : memref<2x10240xf32, #tpu.memory_space<hbm>> -> memref<1x640xf32, #tpu.memory_space<hbm>>
      %dma_start3A_43 = tpu.memref_squeeze %dma_start3A : memref<1x640xf32, #tpu.memory_space<hbm>> -> memref<640xf32, #tpu.memory_space<hbm>>
      %dma_start3A_44 = tpu.memref_slice %arg7[%mul3A_40] : memref<10240xf32, #tpu.memory_space<vmem_shared>> -> memref<640xf32, #tpu.memory_space<vmem_shared>>
      tpu.enqueue_dma source(%dma_start3A_44 : memref<640xf32, #tpu.memory_space<vmem_shared>>) target(%dma_start3A_43 : memref<640xf32, #tpu.memory_space<hbm>>) target_semaphore(%run_scoped3A : memref<!tpu.dma_semaphore, #tpu.memory_space<semaphore_mem>>)
      %dma_wait3A = tpu.memref_slice %arg3[%arg0, %mul3A_42] : memref<2x10240xf32, #tpu.memory_space<hbm>> -> memref<1x640xf32, #tpu.memory_space<hbm>>
      %dma_wait3A_45 = tpu.memref_squeeze %dma_wait3A : memref<1x640xf32, #tpu.memory_space<hbm>> -> memref<640xf32, #tpu.memory_space<hbm>>
      %dma_wait3A_46 = tpu.memref_slice %arg7[%mul3A_40] : memref<10240xf32, #tpu.memory_space<vmem_shared>> -> memref<640xf32, #tpu.memory_space<vmem_shared>>
      tpu.wait_dma2 semaphore(%run_scoped3A : memref<!tpu.dma_semaphore, #tpu.memory_space<semaphore_mem>>) src(%dma_wait3A_46 : memref<640xf32, #tpu.memory_space<vmem_shared>>) dst(%dma_wait3A_45 : memref<640xf32, #tpu.memory_space<hbm>>)
      tpu.yield
    }) : () -> ()
    return
  }
}

#map = affine_map<(d0, d1) -> (0, 0)>
#map1 = affine_map<(d0, d1) -> (0, 0, 0)>
module attributes {stable_mosaic.version = 14 : i64} {
  func.func @agg_kernel(%arg0: i32, %arg1: i32, %arg2: memref<10112x128xf32, #tpu.memory_space<hbm>>, %arg3: memref<32x160x64xi32, #tpu.memory_space<hbm>>, %arg4: memref<32x160x64xi32, #tpu.memory_space<hbm>>, %arg5: memref<2x10112x128xf32, #tpu.memory_space<hbm>>, %arg6: memref<2x16x64xi32, #tpu.memory_space<vmem>>, %arg7: memref<2x16x64xi32, #tpu.memory_space<vmem>>, %arg8: memref<5x64x128xf32, #tpu.memory_space<vmem>>, %arg9: memref<10112x128xf32, #tpu.memory_space<vmem_shared>>, %arg10: memref<5x!tpu.dma_semaphore, #tpu.memory_space<semaphore_mem>>, %arg11: memref<2x!tpu.dma_semaphore, #tpu.memory_space<semaphore_mem>>) attributes {dimension_semantics = [#tpu.dimension_semantics<core_parallel>, #tpu.dimension_semantics<subcore_parallel>], iteration_bounds = array<i64: 2, 16>, scalar_prefetch = 0 : i64, scratch_operands = 6 : i64, tpu.core_type = #tpu.core_type<sc_vector_subcore>, window_params = [{transform_indices = #map}, {transform_indices = #map1}, {transform_indices = #map1}, {transform_indices = #map1}]} {
    %mul3A = arith.constant 2 : i32
    %mul3A_0 = arith.muli %arg1, %mul3A : i32
    %add3A = arith.addi %mul3A_0, %arg0 : i32
    %dma_start3A = arith.constant 0 : i32
    %dma_start3A_1 = arith.constant 0 : i32
    %dma_start3A_2 = arith.constant 0 : i32
    %dma_start3A_3 = arith.constant 0 : i32
    %dma_start3A_4 = tpu.memref_slice %arg6[%dma_start3A, %dma_start3A_2, %dma_start3A_3] : memref<2x16x64xi32, #tpu.memory_space<vmem>> -> memref<1x16x64xi32, #tpu.memory_space<vmem>>
    %dma_start3A_5 = tpu.memref_squeeze %dma_start3A_4 : memref<1x16x64xi32, #tpu.memory_space<vmem>> -> memref<16x64xi32, #tpu.memory_space<vmem>>
    %dma_start3A_6 = arith.constant 0 : i32
    %dma_start3A_7 = arith.constant 0 : i32
    %dma_start3A_8 = tpu.memref_slice %arg3[%add3A, %dma_start3A_6, %dma_start3A_7] : memref<32x160x64xi32, #tpu.memory_space<hbm>> -> memref<1x16x64xi32, #tpu.memory_space<hbm>>
    %dma_start3A_9 = tpu.memref_squeeze %dma_start3A_8 : memref<1x16x64xi32, #tpu.memory_space<hbm>> -> memref<16x64xi32, #tpu.memory_space<hbm>>
    %dma_start3A_10 = tpu.memref_slice %arg11[%dma_start3A_1] : memref<2x!tpu.dma_semaphore, #tpu.memory_space<semaphore_mem>> -> memref<1x!tpu.dma_semaphore, #tpu.memory_space<semaphore_mem>>
    %dma_start3A_11 = tpu.memref_squeeze %dma_start3A_10 : memref<1x!tpu.dma_semaphore, #tpu.memory_space<semaphore_mem>> -> memref<!tpu.dma_semaphore, #tpu.memory_space<semaphore_mem>>
    %dma_start3A_12 = arith.constant 0 : i32
    %dma_start3A_13 = arith.constant 0 : i32
    %dma_start3A_14 = tpu.memref_slice %arg6[%dma_start3A, %dma_start3A_12, %dma_start3A_13] : memref<2x16x64xi32, #tpu.memory_space<vmem>> -> memref<1x16x64xi32, #tpu.memory_space<vmem>>
    %dma_start3A_15 = tpu.memref_squeeze %dma_start3A_14 : memref<1x16x64xi32, #tpu.memory_space<vmem>> -> memref<16x64xi32, #tpu.memory_space<vmem>>
    %dma_start3A_16 = arith.constant 0 : i32
    %dma_start3A_17 = arith.constant 0 : i32
    %dma_start3A_18 = tpu.memref_slice %arg3[%add3A, %dma_start3A_16, %dma_start3A_17] : memref<32x160x64xi32, #tpu.memory_space<hbm>> -> memref<1x16x64xi32, #tpu.memory_space<hbm>>
    %dma_start3A_19 = tpu.memref_squeeze %dma_start3A_18 : memref<1x16x64xi32, #tpu.memory_space<hbm>> -> memref<16x64xi32, #tpu.memory_space<hbm>>
    tpu.enqueue_dma source(%dma_start3A_19 : memref<16x64xi32, #tpu.memory_space<hbm>>) target(%dma_start3A_15 : memref<16x64xi32, #tpu.memory_space<vmem>>) target_semaphore(%dma_start3A_11 : memref<!tpu.dma_semaphore, #tpu.memory_space<semaphore_mem>>)
    %dma_start3A_20 = arith.constant 0 : i32
    %dma_start3A_21 = arith.constant 0 : i32
    %dma_start3A_22 = arith.constant 0 : i32
    %dma_start3A_23 = arith.constant 0 : i32
    %dma_start3A_24 = tpu.memref_slice %arg7[%dma_start3A_20, %dma_start3A_22, %dma_start3A_23] : memref<2x16x64xi32, #tpu.memory_space<vmem>> -> memref<1x16x64xi32, #tpu.memory_space<vmem>>
    %dma_start3A_25 = tpu.memref_squeeze %dma_start3A_24 : memref<1x16x64xi32, #tpu.memory_space<vmem>> -> memref<16x64xi32, #tpu.memory_space<vmem>>
    %dma_start3A_26 = arith.constant 0 : i32
    %dma_start3A_27 = arith.constant 0 : i32
    %dma_start3A_28 = tpu.memref_slice %arg4[%add3A, %dma_start3A_26, %dma_start3A_27] : memref<32x160x64xi32, #tpu.memory_space<hbm>> -> memref<1x16x64xi32, #tpu.memory_space<hbm>>
    %dma_start3A_29 = tpu.memref_squeeze %dma_start3A_28 : memref<1x16x64xi32, #tpu.memory_space<hbm>> -> memref<16x64xi32, #tpu.memory_space<hbm>>
    %dma_start3A_30 = tpu.memref_slice %arg11[%dma_start3A_21] : memref<2x!tpu.dma_semaphore, #tpu.memory_space<semaphore_mem>> -> memref<1x!tpu.dma_semaphore, #tpu.memory_space<semaphore_mem>>
    %dma_start3A_31 = tpu.memref_squeeze %dma_start3A_30 : memref<1x!tpu.dma_semaphore, #tpu.memory_space<semaphore_mem>> -> memref<!tpu.dma_semaphore, #tpu.memory_space<semaphore_mem>>
    %dma_start3A_32 = arith.constant 0 : i32
    %dma_start3A_33 = arith.constant 0 : i32
    %dma_start3A_34 = tpu.memref_slice %arg7[%dma_start3A_20, %dma_start3A_32, %dma_start3A_33] : memref<2x16x64xi32, #tpu.memory_space<vmem>> -> memref<1x16x64xi32, #tpu.memory_space<vmem>>
    %dma_start3A_35 = tpu.memref_squeeze %dma_start3A_34 : memref<1x16x64xi32, #tpu.memory_space<vmem>> -> memref<16x64xi32, #tpu.memory_space<vmem>>
    %dma_start3A_36 = arith.constant 0 : i32
    %dma_start3A_37 = arith.constant 0 : i32
    %dma_start3A_38 = tpu.memref_slice %arg4[%add3A, %dma_start3A_36, %dma_start3A_37] : memref<32x160x64xi32, #tpu.memory_space<hbm>> -> memref<1x16x64xi32, #tpu.memory_space<hbm>>
    %dma_start3A_39 = tpu.memref_squeeze %dma_start3A_38 : memref<1x16x64xi32, #tpu.memory_space<hbm>> -> memref<16x64xi32, #tpu.memory_space<hbm>>
    tpu.enqueue_dma source(%dma_start3A_39 : memref<16x64xi32, #tpu.memory_space<hbm>>) target(%dma_start3A_35 : memref<16x64xi32, #tpu.memory_space<vmem>>) target_semaphore(%dma_start3A_31 : memref<!tpu.dma_semaphore, #tpu.memory_space<semaphore_mem>>)
    %dma_start3A_40 = arith.constant 1 : i32
    %dma_start3A_41 = arith.constant 1 : i32
    %dma_start3A_42 = arith.constant 0 : i32
    %dma_start3A_43 = arith.constant 0 : i32
    %dma_start3A_44 = tpu.memref_slice %arg6[%dma_start3A_40, %dma_start3A_42, %dma_start3A_43] : memref<2x16x64xi32, #tpu.memory_space<vmem>> -> memref<1x16x64xi32, #tpu.memory_space<vmem>>
    %dma_start3A_45 = tpu.memref_squeeze %dma_start3A_44 : memref<1x16x64xi32, #tpu.memory_space<vmem>> -> memref<16x64xi32, #tpu.memory_space<vmem>>
    %dma_start3A_46 = arith.constant 16 : i32
    %dma_start3A_47 = arith.constant 0 : i32
    %dma_start3A_48 = tpu.memref_slice %arg3[%add3A, %dma_start3A_46, %dma_start3A_47] : memref<32x160x64xi32, #tpu.memory_space<hbm>> -> memref<1x16x64xi32, #tpu.memory_space<hbm>>
    %dma_start3A_49 = tpu.memref_squeeze %dma_start3A_48 : memref<1x16x64xi32, #tpu.memory_space<hbm>> -> memref<16x64xi32, #tpu.memory_space<hbm>>
    %dma_start3A_50 = tpu.memref_slice %arg11[%dma_start3A_41] : memref<2x!tpu.dma_semaphore, #tpu.memory_space<semaphore_mem>> -> memref<1x!tpu.dma_semaphore, #tpu.memory_space<semaphore_mem>>
    %dma_start3A_51 = tpu.memref_squeeze %dma_start3A_50 : memref<1x!tpu.dma_semaphore, #tpu.memory_space<semaphore_mem>> -> memref<!tpu.dma_semaphore, #tpu.memory_space<semaphore_mem>>
    %dma_start3A_52 = arith.constant 0 : i32
    %dma_start3A_53 = arith.constant 0 : i32
    %dma_start3A_54 = tpu.memref_slice %arg6[%dma_start3A_40, %dma_start3A_52, %dma_start3A_53] : memref<2x16x64xi32, #tpu.memory_space<vmem>> -> memref<1x16x64xi32, #tpu.memory_space<vmem>>
    %dma_start3A_55 = tpu.memref_squeeze %dma_start3A_54 : memref<1x16x64xi32, #tpu.memory_space<vmem>> -> memref<16x64xi32, #tpu.memory_space<vmem>>
    %dma_start3A_56 = arith.constant 16 : i32
    %dma_start3A_57 = arith.constant 0 : i32
    %dma_start3A_58 = tpu.memref_slice %arg3[%add3A, %dma_start3A_56, %dma_start3A_57] : memref<32x160x64xi32, #tpu.memory_space<hbm>> -> memref<1x16x64xi32, #tpu.memory_space<hbm>>
    %dma_start3A_59 = tpu.memref_squeeze %dma_start3A_58 : memref<1x16x64xi32, #tpu.memory_space<hbm>> -> memref<16x64xi32, #tpu.memory_space<hbm>>
    tpu.enqueue_dma source(%dma_start3A_59 : memref<16x64xi32, #tpu.memory_space<hbm>>) target(%dma_start3A_55 : memref<16x64xi32, #tpu.memory_space<vmem>>) target_semaphore(%dma_start3A_51 : memref<!tpu.dma_semaphore, #tpu.memory_space<semaphore_mem>>)
    %dma_start3A_60 = arith.constant 1 : i32
    %dma_start3A_61 = arith.constant 1 : i32
    %dma_start3A_62 = arith.constant 0 : i32
    %dma_start3A_63 = arith.constant 0 : i32
    %dma_start3A_64 = tpu.memref_slice %arg7[%dma_start3A_60, %dma_start3A_62, %dma_start3A_63] : memref<2x16x64xi32, #tpu.memory_space<vmem>> -> memref<1x16x64xi32, #tpu.memory_space<vmem>>
    %dma_start3A_65 = tpu.memref_squeeze %dma_start3A_64 : memref<1x16x64xi32, #tpu.memory_space<vmem>> -> memref<16x64xi32, #tpu.memory_space<vmem>>
    %dma_start3A_66 = arith.constant 16 : i32
    %dma_start3A_67 = arith.constant 0 : i32
    %dma_start3A_68 = tpu.memref_slice %arg4[%add3A, %dma_start3A_66, %dma_start3A_67] : memref<32x160x64xi32, #tpu.memory_space<hbm>> -> memref<1x16x64xi32, #tpu.memory_space<hbm>>
    %dma_start3A_69 = tpu.memref_squeeze %dma_start3A_68 : memref<1x16x64xi32, #tpu.memory_space<hbm>> -> memref<16x64xi32, #tpu.memory_space<hbm>>
    %dma_start3A_70 = tpu.memref_slice %arg11[%dma_start3A_61] : memref<2x!tpu.dma_semaphore, #tpu.memory_space<semaphore_mem>> -> memref<1x!tpu.dma_semaphore, #tpu.memory_space<semaphore_mem>>
    %dma_start3A_71 = tpu.memref_squeeze %dma_start3A_70 : memref<1x!tpu.dma_semaphore, #tpu.memory_space<semaphore_mem>> -> memref<!tpu.dma_semaphore, #tpu.memory_space<semaphore_mem>>
    %dma_start3A_72 = arith.constant 0 : i32
    %dma_start3A_73 = arith.constant 0 : i32
    %dma_start3A_74 = tpu.memref_slice %arg7[%dma_start3A_60, %dma_start3A_72, %dma_start3A_73] : memref<2x16x64xi32, #tpu.memory_space<vmem>> -> memref<1x16x64xi32, #tpu.memory_space<vmem>>
    %dma_start3A_75 = tpu.memref_squeeze %dma_start3A_74 : memref<1x16x64xi32, #tpu.memory_space<vmem>> -> memref<16x64xi32, #tpu.memory_space<vmem>>
    %dma_start3A_76 = arith.constant 16 : i32
    %dma_start3A_77 = arith.constant 0 : i32
    %dma_start3A_78 = tpu.memref_slice %arg4[%add3A, %dma_start3A_76, %dma_start3A_77] : memref<32x160x64xi32, #tpu.memory_space<hbm>> -> memref<1x16x64xi32, #tpu.memory_space<hbm>>
    %dma_start3A_79 = tpu.memref_squeeze %dma_start3A_78 : memref<1x16x64xi32, #tpu.memory_space<hbm>> -> memref<16x64xi32, #tpu.memory_space<hbm>>
    tpu.enqueue_dma source(%dma_start3A_79 : memref<16x64xi32, #tpu.memory_space<hbm>>) target(%dma_start3A_75 : memref<16x64xi32, #tpu.memory_space<vmem>>) target_semaphore(%dma_start3A_71 : memref<!tpu.dma_semaphore, #tpu.memory_space<semaphore_mem>>)
    %broadcast_in_dim3A = arith.constant 0.000000e+00 : f32
    %broadcast_in_dim3A_80 = vector.broadcast %broadcast_in_dim3A : f32 to vector<16xf32>
    %scan3A = arith.constant 0 : i32
    %scan3A_81 = arith.constant 0 : i32
    %scan3A_82 = arith.constant 64 : i32
    %scan3A_83 = arith.addi %scan3A_81, %scan3A_82 : i32
    %scan3A_84 = arith.constant 1 : i32
    scf.for %scan3A_265 = %scan3A_81 to %scan3A_83 step %scan3A_84  : i32 {
      %swap3A = arith.constant 0 : i32
      %swap3A_266 = arith.index_cast %swap3A : i32 to index
      %swap3A_267 = arith.index_cast %scan3A_265 : i32 to index
      %swap3A_268 = arith.constant 0 : index
      %swap3A_269 = tpu.vector_load %arg8[%swap3A_266, %swap3A_267, %swap3A_268] {strides = array<i32>} : memref<5x64x128xf32, #tpu.memory_space<vmem>>, vector<1x1x16xf32>,
      %swap3A_270 = vector.shape_cast %swap3A_269 : vector<1x1x16xf32> to vector<16xf32>
      %swap3A_271 = vector.shape_cast %broadcast_in_dim3A_80 : vector<16xf32> to vector<1x1x16xf32>
      tpu.vector_store %arg8[%swap3A_266, %swap3A_267, %swap3A_268], %swap3A_271 {strides = array<i32>} : memref<5x64x128xf32, #tpu.memory_space<vmem>>, vector<1x1x16xf32>,
      %swap3A_272 = arith.constant 0 : i32
      %swap3A_273 = arith.index_cast %swap3A_272 : i32 to index
      %swap3A_274 = arith.index_cast %scan3A_265 : i32 to index
      %swap3A_275 = arith.constant 16 : index
      %swap3A_276 = tpu.vector_load %arg8[%swap3A_273, %swap3A_274, %swap3A_275] {strides = array<i32>} : memref<5x64x128xf32, #tpu.memory_space<vmem>>, vector<1x1x16xf32>,
      %swap3A_277 = vector.shape_cast %swap3A_276 : vector<1x1x16xf32> to vector<16xf32>
      %swap3A_278 = vector.shape_cast %broadcast_in_dim3A_80 : vector<16xf32> to vector<1x1x16xf32>
      tpu.vector_store %arg8[%swap3A_273, %swap3A_274, %swap3A_275], %swap3A_278 {strides = array<i32>} : memref<5x64x128xf32, #tpu.memory_space<vmem>>, vector<1x1x16xf32>,
      %swap3A_279 = arith.constant 0 : i32
      %swap3A_280 = arith.index_cast %swap3A_279 : i32 to index
      %swap3A_281 = arith.index_cast %scan3A_265 : i32 to index
      %swap3A_282 = arith.constant 32 : index
      %swap3A_283 = tpu.vector_load %arg8[%swap3A_280, %swap3A_281, %swap3A_282] {strides = array<i32>} : memref<5x64x128xf32, #tpu.memory_space<vmem>>, vector<1x1x16xf32>,
      %swap3A_284 = vector.shape_cast %swap3A_283 : vector<1x1x16xf32> to vector<16xf32>
      %swap3A_285 = vector.shape_cast %broadcast_in_dim3A_80 : vector<16xf32> to vector<1x1x16xf32>
      tpu.vector_store %arg8[%swap3A_280, %swap3A_281, %swap3A_282], %swap3A_285 {strides = array<i32>} : memref<5x64x128xf32, #tpu.memory_space<vmem>>, vector<1x1x16xf32>,
      %swap3A_286 = arith.constant 0 : i32
      %swap3A_287 = arith.index_cast %swap3A_286 : i32 to index
      %swap3A_288 = arith.index_cast %scan3A_265 : i32 to index
      %swap3A_289 = arith.constant 48 : index
      %swap3A_290 = tpu.vector_load %arg8[%swap3A_287, %swap3A_288, %swap3A_289] {strides = array<i32>} : memref<5x64x128xf32, #tpu.memory_space<vmem>>, vector<1x1x16xf32>,
      %swap3A_291 = vector.shape_cast %swap3A_290 : vector<1x1x16xf32> to vector<16xf32>
      %swap3A_292 = vector.shape_cast %broadcast_in_dim3A_80 : vector<16xf32> to vector<1x1x16xf32>
      tpu.vector_store %arg8[%swap3A_287, %swap3A_288, %swap3A_289], %swap3A_292 {strides = array<i32>} : memref<5x64x128xf32, #tpu.memory_space<vmem>>, vector<1x1x16xf32>,
      %swap3A_293 = arith.constant 0 : i32
      %swap3A_294 = arith.index_cast %swap3A_293 : i32 to index
      %swap3A_295 = arith.index_cast %scan3A_265 : i32 to index
      %swap3A_296 = arith.constant 64 : index
      %swap3A_297 = tpu.vector_load %arg8[%swap3A_294, %swap3A_295, %swap3A_296] {strides = array<i32>} : memref<5x64x128xf32, #tpu.memory_space<vmem>>, vector<1x1x16xf32>,
      %swap3A_298 = vector.shape_cast %swap3A_297 : vector<1x1x16xf32> to vector<16xf32>
      %swap3A_299 = vector.shape_cast %broadcast_in_dim3A_80 : vector<16xf32> to vector<1x1x16xf32>
      tpu.vector_store %arg8[%swap3A_294, %swap3A_295, %swap3A_296], %swap3A_299 {strides = array<i32>} : memref<5x64x128xf32, #tpu.memory_space<vmem>>, vector<1x1x16xf32>,
      %swap3A_300 = arith.constant 0 : i32
      %swap3A_301 = arith.index_cast %swap3A_300 : i32 to index
      %swap3A_302 = arith.index_cast %scan3A_265 : i32 to index
      %swap3A_303 = arith.constant 80 : index
      %swap3A_304 = tpu.vector_load %arg8[%swap3A_301, %swap3A_302, %swap3A_303] {strides = array<i32>} : memref<5x64x128xf32, #tpu.memory_space<vmem>>, vector<1x1x16xf32>,
      %swap3A_305 = vector.shape_cast %swap3A_304 : vector<1x1x16xf32> to vector<16xf32>
      %swap3A_306 = vector.shape_cast %broadcast_in_dim3A_80 : vector<16xf32> to vector<1x1x16xf32>
      tpu.vector_store %arg8[%swap3A_301, %swap3A_302, %swap3A_303], %swap3A_306 {strides = array<i32>} : memref<5x64x128xf32, #tpu.memory_space<vmem>>, vector<1x1x16xf32>,
      %swap3A_307 = arith.constant 0 : i32
      %swap3A_308 = arith.index_cast %swap3A_307 : i32 to index
      %swap3A_309 = arith.index_cast %scan3A_265 : i32 to index
      %swap3A_310 = arith.constant 96 : index
      %swap3A_311 = tpu.vector_load %arg8[%swap3A_308, %swap3A_309, %swap3A_310] {strides = array<i32>} : memref<5x64x128xf32, #tpu.memory_space<vmem>>, vector<1x1x16xf32>,
      %swap3A_312 = vector.shape_cast %swap3A_311 : vector<1x1x16xf32> to vector<16xf32>
      %swap3A_313 = vector.shape_cast %broadcast_in_dim3A_80 : vector<16xf32> to vector<1x1x16xf32>
      tpu.vector_store %arg8[%swap3A_308, %swap3A_309, %swap3A_310], %swap3A_313 {strides = array<i32>} : memref<5x64x128xf32, #tpu.memory_space<vmem>>, vector<1x1x16xf32>,
      %swap3A_314 = arith.constant 0 : i32
      %swap3A_315 = arith.index_cast %swap3A_314 : i32 to index
      %swap3A_316 = arith.index_cast %scan3A_265 : i32 to index
      %swap3A_317 = arith.constant 112 : index
      %swap3A_318 = tpu.vector_load %arg8[%swap3A_315, %swap3A_316, %swap3A_317] {strides = array<i32>} : memref<5x64x128xf32, #tpu.memory_space<vmem>>, vector<1x1x16xf32>,
      %swap3A_319 = vector.shape_cast %swap3A_318 : vector<1x1x16xf32> to vector<16xf32>
      %swap3A_320 = vector.shape_cast %broadcast_in_dim3A_80 : vector<16xf32> to vector<1x1x16xf32>
      tpu.vector_store %arg8[%swap3A_315, %swap3A_316, %swap3A_317], %swap3A_320 {strides = array<i32>} : memref<5x64x128xf32, #tpu.memory_space<vmem>>, vector<1x1x16xf32>,
    }
    %scan3A_85 = arith.constant 64 : i32
    %mul3A_86 = arith.constant 632 : i32
    %mul3A_87 = arith.muli %arg1, %mul3A_86 : i32
    %add3A_88 = arith.constant 0 : i32
    %add3A_89 = arith.addi %mul3A_87, %add3A_88 : i32
    %run_scoped3A = arith.constant 0 : i32
    "tpu.region"() ({
      %run_scoped3A_265 = tpu.sem_alloc : memref<!tpu.dma_semaphore, #tpu.memory_space<semaphore_mem>>
      %dma_start3A_266 = arith.constant 0 : i32
      %dma_start3A_267 = arith.constant 0 : i32
      %dma_start3A_268 = tpu.memref_slice %arg8[%run_scoped3A, %dma_start3A_266, %dma_start3A_267] : memref<5x64x128xf32, #tpu.memory_space<vmem>> -> memref<1x64x128xf32, #tpu.memory_space<vmem>>
      %dma_start3A_269 = tpu.memref_squeeze %dma_start3A_268 : memref<1x64x128xf32, #tpu.memory_space<vmem>> -> memref<64x128xf32, #tpu.memory_space<vmem>>
      %dma_start3A_270 = arith.constant 0 : i32
      %dma_start3A_271 = tpu.memref_slice %arg9[%add3A_89, %dma_start3A_270] : memref<10112x128xf32, #tpu.memory_space<vmem_shared>> -> memref<64x128xf32, #tpu.memory_space<vmem_shared>>
      %dma_start3A_272 = arith.constant 0 : i32
      %dma_start3A_273 = tpu.memref_slice %arg9[%add3A_89, %dma_start3A_272] : memref<10112x128xf32, #tpu.memory_space<vmem_shared>> -> memref<64x128xf32, #tpu.memory_space<vmem_shared>>
      %dma_start3A_274 = arith.constant 0 : i32
      %dma_start3A_275 = arith.constant 0 : i32
      %dma_start3A_276 = tpu.memref_slice %arg8[%run_scoped3A, %dma_start3A_274, %dma_start3A_275] : memref<5x64x128xf32, #tpu.memory_space<vmem>> -> memref<1x64x128xf32, #tpu.memory_space<vmem>>
      %dma_start3A_277 = tpu.memref_squeeze %dma_start3A_276 : memref<1x64x128xf32, #tpu.memory_space<vmem>> -> memref<64x128xf32, #tpu.memory_space<vmem>>
      tpu.enqueue_dma source(%dma_start3A_277 : memref<64x128xf32, #tpu.memory_space<vmem>>) target(%dma_start3A_273 : memref<64x128xf32, #tpu.memory_space<vmem_shared>>) target_semaphore(%run_scoped3A_265 : memref<!tpu.dma_semaphore, #tpu.memory_space<semaphore_mem>>)
      %dma_wait3A_278 = arith.constant 0 : i32
      %dma_wait3A_279 = arith.constant 0 : i32
      %dma_wait3A_280 = tpu.memref_slice %arg8[%run_scoped3A, %dma_wait3A_278, %dma_wait3A_279] : memref<5x64x128xf32, #tpu.memory_space<vmem>> -> memref<1x64x128xf32, #tpu.memory_space<vmem>>
      %dma_wait3A_281 = tpu.memref_squeeze %dma_wait3A_280 : memref<1x64x128xf32, #tpu.memory_space<vmem>> -> memref<64x128xf32, #tpu.memory_space<vmem>>
      %dma_wait3A_282 = arith.constant 0 : i32
      %dma_wait3A_283 = tpu.memref_slice %arg9[%add3A_89, %dma_wait3A_282] : memref<10112x128xf32, #tpu.memory_space<vmem_shared>> -> memref<64x128xf32, #tpu.memory_space<vmem_shared>>
      %dma_wait3A_284 = arith.constant 0 : i32
      %dma_wait3A_285 = tpu.memref_slice %arg9[%add3A_89, %dma_wait3A_284] : memref<10112x128xf32, #tpu.memory_space<vmem_shared>> -> memref<64x128xf32, #tpu.memory_space<vmem_shared>>
      %dma_wait3A_286 = arith.constant 0 : i32
      %dma_wait3A_287 = arith.constant 0 : i32
      %dma_wait3A_288 = tpu.memref_slice %arg8[%run_scoped3A, %dma_wait3A_286, %dma_wait3A_287] : memref<5x64x128xf32, #tpu.memory_space<vmem>> -> memref<1x64x128xf32, #tpu.memory_space<vmem>>
      %dma_wait3A_289 = tpu.memref_squeeze %dma_wait3A_288 : memref<1x64x128xf32, #tpu.memory_space<vmem>> -> memref<64x128xf32, #tpu.memory_space<vmem>>
      tpu.wait_dma2 semaphore(%run_scoped3A_265 : memref<!tpu.dma_semaphore, #tpu.memory_space<semaphore_mem>>) src(%dma_wait3A_289 : memref<64x128xf32, #tpu.memory_space<vmem>>) dst(%dma_wait3A_285 : memref<64x128xf32, #tpu.memory_space<vmem_shared>>)
      tpu.yield
    }) : () -> ()
    %mul3A_90 = arith.constant 632 : i32
    %mul3A_91 = arith.muli %arg1, %mul3A_90 : i32
    %add3A_92 = arith.constant 64 : i32
    %add3A_93 = arith.addi %mul3A_91, %add3A_92 : i32
    %run_scoped3A_94 = arith.constant 0 : i32
    "tpu.region"() ({
      %run_scoped3A_265 = tpu.sem_alloc : memref<!tpu.dma_semaphore, #tpu.memory_space<semaphore_mem>>
      %dma_start3A_266 = arith.constant 0 : i32
      %dma_start3A_267 = arith.constant 0 : i32
      %dma_start3A_268 = tpu.memref_slice %arg8[%run_scoped3A_94, %dma_start3A_266, %dma_start3A_267] : memref<5x64x128xf32, #tpu.memory_space<vmem>> -> memref<1x64x128xf32, #tpu.memory_space<vmem>>
      %dma_start3A_269 = tpu.memref_squeeze %dma_start3A_268 : memref<1x64x128xf32, #tpu.memory_space<vmem>> -> memref<64x128xf32, #tpu.memory_space<vmem>>
      %dma_start3A_270 = arith.constant 0 : i32
      %dma_start3A_271 = tpu.memref_slice %arg9[%add3A_93, %dma_start3A_270] : memref<10112x128xf32, #tpu.memory_space<vmem_shared>> -> memref<64x128xf32, #tpu.memory_space<vmem_shared>>
      %dma_start3A_272 = arith.constant 0 : i32
      %dma_start3A_273 = tpu.memref_slice %arg9[%add3A_93, %dma_start3A_272] : memref<10112x128xf32, #tpu.memory_space<vmem_shared>> -> memref<64x128xf32, #tpu.memory_space<vmem_shared>>
      %dma_start3A_274 = arith.constant 0 : i32
      %dma_start3A_275 = arith.constant 0 : i32
      %dma_start3A_276 = tpu.memref_slice %arg8[%run_scoped3A_94, %dma_start3A_274, %dma_start3A_275] : memref<5x64x128xf32, #tpu.memory_space<vmem>> -> memref<1x64x128xf32, #tpu.memory_space<vmem>>
      %dma_start3A_277 = tpu.memref_squeeze %dma_start3A_276 : memref<1x64x128xf32, #tpu.memory_space<vmem>> -> memref<64x128xf32, #tpu.memory_space<vmem>>
      tpu.enqueue_dma source(%dma_start3A_277 : memref<64x128xf32, #tpu.memory_space<vmem>>) target(%dma_start3A_273 : memref<64x128xf32, #tpu.memory_space<vmem_shared>>) target_semaphore(%run_scoped3A_265 : memref<!tpu.dma_semaphore, #tpu.memory_space<semaphore_mem>>)
      %dma_wait3A_278 = arith.constant 0 : i32
      %dma_wait3A_279 = arith.constant 0 : i32
      %dma_wait3A_280 = tpu.memref_slice %arg8[%run_scoped3A_94, %dma_wait3A_278, %dma_wait3A_279] : memref<5x64x128xf32, #tpu.memory_space<vmem>> -> memref<1x64x128xf32, #tpu.memory_space<vmem>>
      %dma_wait3A_281 = tpu.memref_squeeze %dma_wait3A_280 : memref<1x64x128xf32, #tpu.memory_space<vmem>> -> memref<64x128xf32, #tpu.memory_space<vmem>>
      %dma_wait3A_282 = arith.constant 0 : i32
      %dma_wait3A_283 = tpu.memref_slice %arg9[%add3A_93, %dma_wait3A_282] : memref<10112x128xf32, #tpu.memory_space<vmem_shared>> -> memref<64x128xf32, #tpu.memory_space<vmem_shared>>
      %dma_wait3A_284 = arith.constant 0 : i32
      %dma_wait3A_285 = tpu.memref_slice %arg9[%add3A_93, %dma_wait3A_284] : memref<10112x128xf32, #tpu.memory_space<vmem_shared>> -> memref<64x128xf32, #tpu.memory_space<vmem_shared>>
      %dma_wait3A_286 = arith.constant 0 : i32
      %dma_wait3A_287 = arith.constant 0 : i32
      %dma_wait3A_288 = tpu.memref_slice %arg8[%run_scoped3A_94, %dma_wait3A_286, %dma_wait3A_287] : memref<5x64x128xf32, #tpu.memory_space<vmem>> -> memref<1x64x128xf32, #tpu.memory_space<vmem>>
      %dma_wait3A_289 = tpu.memref_squeeze %dma_wait3A_288 : memref<1x64x128xf32, #tpu.memory_space<vmem>> -> memref<64x128xf32, #tpu.memory_space<vmem>>
      tpu.wait_dma2 semaphore(%run_scoped3A_265 : memref<!tpu.dma_semaphore, #tpu.memory_space<semaphore_mem>>) src(%dma_wait3A_289 : memref<64x128xf32, #tpu.memory_space<vmem>>) dst(%dma_wait3A_285 : memref<64x128xf32, #tpu.memory_space<vmem_shared>>)
      tpu.yield
    }) : () -> ()
    %mul3A_95 = arith.constant 632 : i32
    %mul3A_96 = arith.muli %arg1, %mul3A_95 : i32
    %add3A_97 = arith.constant 128 : i32
    %add3A_98 = arith.addi %mul3A_96, %add3A_97 : i32
    %run_scoped3A_99 = arith.constant 0 : i32
    "tpu.region"() ({
      %run_scoped3A_265 = tpu.sem_alloc : memref<!tpu.dma_semaphore, #tpu.memory_space<semaphore_mem>>
      %dma_start3A_266 = arith.constant 0 : i32
      %dma_start3A_267 = arith.constant 0 : i32
      %dma_start3A_268 = tpu.memref_slice %arg8[%run_scoped3A_99, %dma_start3A_266, %dma_start3A_267] : memref<5x64x128xf32, #tpu.memory_space<vmem>> -> memref<1x64x128xf32, #tpu.memory_space<vmem>>
      %dma_start3A_269 = tpu.memref_squeeze %dma_start3A_268 : memref<1x64x128xf32, #tpu.memory_space<vmem>> -> memref<64x128xf32, #tpu.memory_space<vmem>>
      %dma_start3A_270 = arith.constant 0 : i32
      %dma_start3A_271 = tpu.memref_slice %arg9[%add3A_98, %dma_start3A_270] : memref<10112x128xf32, #tpu.memory_space<vmem_shared>> -> memref<64x128xf32, #tpu.memory_space<vmem_shared>>
      %dma_start3A_272 = arith.constant 0 : i32
      %dma_start3A_273 = tpu.memref_slice %arg9[%add3A_98, %dma_start3A_272] : memref<10112x128xf32, #tpu.memory_space<vmem_shared>> -> memref<64x128xf32, #tpu.memory_space<vmem_shared>>
      %dma_start3A_274 = arith.constant 0 : i32
      %dma_start3A_275 = arith.constant 0 : i32
      %dma_start3A_276 = tpu.memref_slice %arg8[%run_scoped3A_99, %dma_start3A_274, %dma_start3A_275] : memref<5x64x128xf32, #tpu.memory_space<vmem>> -> memref<1x64x128xf32, #tpu.memory_space<vmem>>
      %dma_start3A_277 = tpu.memref_squeeze %dma_start3A_276 : memref<1x64x128xf32, #tpu.memory_space<vmem>> -> memref<64x128xf32, #tpu.memory_space<vmem>>
      tpu.enqueue_dma source(%dma_start3A_277 : memref<64x128xf32, #tpu.memory_space<vmem>>) target(%dma_start3A_273 : memref<64x128xf32, #tpu.memory_space<vmem_shared>>) target_semaphore(%run_scoped3A_265 : memref<!tpu.dma_semaphore, #tpu.memory_space<semaphore_mem>>)
      %dma_wait3A_278 = arith.constant 0 : i32
      %dma_wait3A_279 = arith.constant 0 : i32
      %dma_wait3A_280 = tpu.memref_slice %arg8[%run_scoped3A_99, %dma_wait3A_278, %dma_wait3A_279] : memref<5x64x128xf32, #tpu.memory_space<vmem>> -> memref<1x64x128xf32, #tpu.memory_space<vmem>>
      %dma_wait3A_281 = tpu.memref_squeeze %dma_wait3A_280 : memref<1x64x128xf32, #tpu.memory_space<vmem>> -> memref<64x128xf32, #tpu.memory_space<vmem>>
      %dma_wait3A_282 = arith.constant 0 : i32
      %dma_wait3A_283 = tpu.memref_slice %arg9[%add3A_98, %dma_wait3A_282] : memref<10112x128xf32, #tpu.memory_space<vmem_shared>> -> memref<64x128xf32, #tpu.memory_space<vmem_shared>>
      %dma_wait3A_284 = arith.constant 0 : i32
      %dma_wait3A_285 = tpu.memref_slice %arg9[%add3A_98, %dma_wait3A_284] : memref<10112x128xf32, #tpu.memory_space<vmem_shared>> -> memref<64x128xf32, #tpu.memory_space<vmem_shared>>
      %dma_wait3A_286 = arith.constant 0 : i32
      %dma_wait3A_287 = arith.constant 0 : i32
      %dma_wait3A_288 = tpu.memref_slice %arg8[%run_scoped3A_99, %dma_wait3A_286, %dma_wait3A_287] : memref<5x64x128xf32, #tpu.memory_space<vmem>> -> memref<1x64x128xf32, #tpu.memory_space<vmem>>
      %dma_wait3A_289 = tpu.memref_squeeze %dma_wait3A_288 : memref<1x64x128xf32, #tpu.memory_space<vmem>> -> memref<64x128xf32, #tpu.memory_space<vmem>>
      tpu.wait_dma2 semaphore(%run_scoped3A_265 : memref<!tpu.dma_semaphore, #tpu.memory_space<semaphore_mem>>) src(%dma_wait3A_289 : memref<64x128xf32, #tpu.memory_space<vmem>>) dst(%dma_wait3A_285 : memref<64x128xf32, #tpu.memory_space<vmem_shared>>)
      tpu.yield
    }) : () -> ()
    %mul3A_100 = arith.constant 632 : i32
    %mul3A_101 = arith.muli %arg1, %mul3A_100 : i32
    %add3A_102 = arith.constant 192 : i32
    %add3A_103 = arith.addi %mul3A_101, %add3A_102 : i32
    %run_scoped3A_104 = arith.constant 0 : i32
    "tpu.region"() ({
      %run_scoped3A_265 = tpu.sem_alloc : memref<!tpu.dma_semaphore, #tpu.memory_space<semaphore_mem>>
      %dma_start3A_266 = arith.constant 0 : i32
      %dma_start3A_267 = arith.constant 0 : i32
      %dma_start3A_268 = tpu.memref_slice %arg8[%run_scoped3A_104, %dma_start3A_266, %dma_start3A_267] : memref<5x64x128xf32, #tpu.memory_space<vmem>> -> memref<1x64x128xf32, #tpu.memory_space<vmem>>
      %dma_start3A_269 = tpu.memref_squeeze %dma_start3A_268 : memref<1x64x128xf32, #tpu.memory_space<vmem>> -> memref<64x128xf32, #tpu.memory_space<vmem>>
      %dma_start3A_270 = arith.constant 0 : i32
      %dma_start3A_271 = tpu.memref_slice %arg9[%add3A_103, %dma_start3A_270] : memref<10112x128xf32, #tpu.memory_space<vmem_shared>> -> memref<64x128xf32, #tpu.memory_space<vmem_shared>>
      %dma_start3A_272 = arith.constant 0 : i32
      %dma_start3A_273 = tpu.memref_slice %arg9[%add3A_103, %dma_start3A_272] : memref<10112x128xf32, #tpu.memory_space<vmem_shared>> -> memref<64x128xf32, #tpu.memory_space<vmem_shared>>
      %dma_start3A_274 = arith.constant 0 : i32
      %dma_start3A_275 = arith.constant 0 : i32
      %dma_start3A_276 = tpu.memref_slice %arg8[%run_scoped3A_104, %dma_start3A_274, %dma_start3A_275] : memref<5x64x128xf32, #tpu.memory_space<vmem>> -> memref<1x64x128xf32, #tpu.memory_space<vmem>>
      %dma_start3A_277 = tpu.memref_squeeze %dma_start3A_276 : memref<1x64x128xf32, #tpu.memory_space<vmem>> -> memref<64x128xf32, #tpu.memory_space<vmem>>
      tpu.enqueue_dma source(%dma_start3A_277 : memref<64x128xf32, #tpu.memory_space<vmem>>) target(%dma_start3A_273 : memref<64x128xf32, #tpu.memory_space<vmem_shared>>) target_semaphore(%run_scoped3A_265 : memref<!tpu.dma_semaphore, #tpu.memory_space<semaphore_mem>>)
      %dma_wait3A_278 = arith.constant 0 : i32
      %dma_wait3A_279 = arith.constant 0 : i32
      %dma_wait3A_280 = tpu.memref_slice %arg8[%run_scoped3A_104, %dma_wait3A_278, %dma_wait3A_279] : memref<5x64x128xf32, #tpu.memory_space<vmem>> -> memref<1x64x128xf32, #tpu.memory_space<vmem>>
      %dma_wait3A_281 = tpu.memref_squeeze %dma_wait3A_280 : memref<1x64x128xf32, #tpu.memory_space<vmem>> -> memref<64x128xf32, #tpu.memory_space<vmem>>
      %dma_wait3A_282 = arith.constant 0 : i32
      %dma_wait3A_283 = tpu.memref_slice %arg9[%add3A_103, %dma_wait3A_282] : memref<10112x128xf32, #tpu.memory_space<vmem_shared>> -> memref<64x128xf32, #tpu.memory_space<vmem_shared>>
      %dma_wait3A_284 = arith.constant 0 : i32
      %dma_wait3A_285 = tpu.memref_slice %arg9[%add3A_103, %dma_wait3A_284] : memref<10112x128xf32, #tpu.memory_space<vmem_shared>> -> memref<64x128xf32, #tpu.memory_space<vmem_shared>>
      %dma_wait3A_286 = arith.constant 0 : i32
      %dma_wait3A_287 = arith.constant 0 : i32
      %dma_wait3A_288 = tpu.memref_slice %arg8[%run_scoped3A_104, %dma_wait3A_286, %dma_wait3A_287] : memref<5x64x128xf32, #tpu.memory_space<vmem>> -> memref<1x64x128xf32, #tpu.memory_space<vmem>>
      %dma_wait3A_289 = tpu.memref_squeeze %dma_wait3A_288 : memref<1x64x128xf32, #tpu.memory_space<vmem>> -> memref<64x128xf32, #tpu.memory_space<vmem>>
      tpu.wait_dma2 semaphore(%run_scoped3A_265 : memref<!tpu.dma_semaphore, #tpu.memory_space<semaphore_mem>>) src(%dma_wait3A_289 : memref<64x128xf32, #tpu.memory_space<vmem>>) dst(%dma_wait3A_285 : memref<64x128xf32, #tpu.memory_space<vmem_shared>>)
      tpu.yield
    }) : () -> ()
    %mul3A_105 = arith.constant 632 : i32
    %mul3A_106 = arith.muli %arg1, %mul3A_105 : i32
    %add3A_107 = arith.constant 256 : i32
    %add3A_108 = arith.addi %mul3A_106, %add3A_107 : i32
    %run_scoped3A_109 = arith.constant 0 : i32
    "tpu.region"() ({
      %run_scoped3A_265 = tpu.sem_alloc : memref<!tpu.dma_semaphore, #tpu.memory_space<semaphore_mem>>
      %dma_start3A_266 = arith.constant 0 : i32
      %dma_start3A_267 = arith.constant 0 : i32
      %dma_start3A_268 = tpu.memref_slice %arg8[%run_scoped3A_109, %dma_start3A_266, %dma_start3A_267] : memref<5x64x128xf32, #tpu.memory_space<vmem>> -> memref<1x64x128xf32, #tpu.memory_space<vmem>>
      %dma_start3A_269 = tpu.memref_squeeze %dma_start3A_268 : memref<1x64x128xf32, #tpu.memory_space<vmem>> -> memref<64x128xf32, #tpu.memory_space<vmem>>
      %dma_start3A_270 = arith.constant 0 : i32
      %dma_start3A_271 = tpu.memref_slice %arg9[%add3A_108, %dma_start3A_270] : memref<10112x128xf32, #tpu.memory_space<vmem_shared>> -> memref<64x128xf32, #tpu.memory_space<vmem_shared>>
      %dma_start3A_272 = arith.constant 0 : i32
      %dma_start3A_273 = tpu.memref_slice %arg9[%add3A_108, %dma_start3A_272] : memref<10112x128xf32, #tpu.memory_space<vmem_shared>> -> memref<64x128xf32, #tpu.memory_space<vmem_shared>>
      %dma_start3A_274 = arith.constant 0 : i32
      %dma_start3A_275 = arith.constant 0 : i32
      %dma_start3A_276 = tpu.memref_slice %arg8[%run_scoped3A_109, %dma_start3A_274, %dma_start3A_275] : memref<5x64x128xf32, #tpu.memory_space<vmem>> -> memref<1x64x128xf32, #tpu.memory_space<vmem>>
      %dma_start3A_277 = tpu.memref_squeeze %dma_start3A_276 : memref<1x64x128xf32, #tpu.memory_space<vmem>> -> memref<64x128xf32, #tpu.memory_space<vmem>>
      tpu.enqueue_dma source(%dma_start3A_277 : memref<64x128xf32, #tpu.memory_space<vmem>>) target(%dma_start3A_273 : memref<64x128xf32, #tpu.memory_space<vmem_shared>>) target_semaphore(%run_scoped3A_265 : memref<!tpu.dma_semaphore, #tpu.memory_space<semaphore_mem>>)
      %dma_wait3A_278 = arith.constant 0 : i32
      %dma_wait3A_279 = arith.constant 0 : i32
      %dma_wait3A_280 = tpu.memref_slice %arg8[%run_scoped3A_109, %dma_wait3A_278, %dma_wait3A_279] : memref<5x64x128xf32, #tpu.memory_space<vmem>> -> memref<1x64x128xf32, #tpu.memory_space<vmem>>
      %dma_wait3A_281 = tpu.memref_squeeze %dma_wait3A_280 : memref<1x64x128xf32, #tpu.memory_space<vmem>> -> memref<64x128xf32, #tpu.memory_space<vmem>>
      %dma_wait3A_282 = arith.constant 0 : i32
      %dma_wait3A_283 = tpu.memref_slice %arg9[%add3A_108, %dma_wait3A_282] : memref<10112x128xf32, #tpu.memory_space<vmem_shared>> -> memref<64x128xf32, #tpu.memory_space<vmem_shared>>
      %dma_wait3A_284 = arith.constant 0 : i32
      %dma_wait3A_285 = tpu.memref_slice %arg9[%add3A_108, %dma_wait3A_284] : memref<10112x128xf32, #tpu.memory_space<vmem_shared>> -> memref<64x128xf32, #tpu.memory_space<vmem_shared>>
      %dma_wait3A_286 = arith.constant 0 : i32
      %dma_wait3A_287 = arith.constant 0 : i32
      %dma_wait3A_288 = tpu.memref_slice %arg8[%run_scoped3A_109, %dma_wait3A_286, %dma_wait3A_287] : memref<5x64x128xf32, #tpu.memory_space<vmem>> -> memref<1x64x128xf32, #tpu.memory_space<vmem>>
      %dma_wait3A_289 = tpu.memref_squeeze %dma_wait3A_288 : memref<1x64x128xf32, #tpu.memory_space<vmem>> -> memref<64x128xf32, #tpu.memory_space<vmem>>
      tpu.wait_dma2 semaphore(%run_scoped3A_265 : memref<!tpu.dma_semaphore, #tpu.memory_space<semaphore_mem>>) src(%dma_wait3A_289 : memref<64x128xf32, #tpu.memory_space<vmem>>) dst(%dma_wait3A_285 : memref<64x128xf32, #tpu.memory_space<vmem_shared>>)
      tpu.yield
    }) : () -> ()
    %mul3A_110 = arith.constant 632 : i32
    %mul3A_111 = arith.muli %arg1, %mul3A_110 : i32
    %add3A_112 = arith.constant 320 : i32
    %add3A_113 = arith.addi %mul3A_111, %add3A_112 : i32
    %run_scoped3A_114 = arith.constant 0 : i32
    "tpu.region"() ({
      %run_scoped3A_265 = tpu.sem_alloc : memref<!tpu.dma_semaphore, #tpu.memory_space<semaphore_mem>>
      %dma_start3A_266 = arith.constant 0 : i32
      %dma_start3A_267 = arith.constant 0 : i32
      %dma_start3A_268 = tpu.memref_slice %arg8[%run_scoped3A_114, %dma_start3A_266, %dma_start3A_267] : memref<5x64x128xf32, #tpu.memory_space<vmem>> -> memref<1x64x128xf32, #tpu.memory_space<vmem>>
      %dma_start3A_269 = tpu.memref_squeeze %dma_start3A_268 : memref<1x64x128xf32, #tpu.memory_space<vmem>> -> memref<64x128xf32, #tpu.memory_space<vmem>>
      %dma_start3A_270 = arith.constant 0 : i32
      %dma_start3A_271 = tpu.memref_slice %arg9[%add3A_113, %dma_start3A_270] : memref<10112x128xf32, #tpu.memory_space<vmem_shared>> -> memref<64x128xf32, #tpu.memory_space<vmem_shared>>
      %dma_start3A_272 = arith.constant 0 : i32
      %dma_start3A_273 = tpu.memref_slice %arg9[%add3A_113, %dma_start3A_272] : memref<10112x128xf32, #tpu.memory_space<vmem_shared>> -> memref<64x128xf32, #tpu.memory_space<vmem_shared>>
      %dma_start3A_274 = arith.constant 0 : i32
      %dma_start3A_275 = arith.constant 0 : i32
      %dma_start3A_276 = tpu.memref_slice %arg8[%run_scoped3A_114, %dma_start3A_274, %dma_start3A_275] : memref<5x64x128xf32, #tpu.memory_space<vmem>> -> memref<1x64x128xf32, #tpu.memory_space<vmem>>
      %dma_start3A_277 = tpu.memref_squeeze %dma_start3A_276 : memref<1x64x128xf32, #tpu.memory_space<vmem>> -> memref<64x128xf32, #tpu.memory_space<vmem>>
      tpu.enqueue_dma source(%dma_start3A_277 : memref<64x128xf32, #tpu.memory_space<vmem>>) target(%dma_start3A_273 : memref<64x128xf32, #tpu.memory_space<vmem_shared>>) target_semaphore(%run_scoped3A_265 : memref<!tpu.dma_semaphore, #tpu.memory_space<semaphore_mem>>)
      %dma_wait3A_278 = arith.constant 0 : i32
      %dma_wait3A_279 = arith.constant 0 : i32
      %dma_wait3A_280 = tpu.memref_slice %arg8[%run_scoped3A_114, %dma_wait3A_278, %dma_wait3A_279] : memref<5x64x128xf32, #tpu.memory_space<vmem>> -> memref<1x64x128xf32, #tpu.memory_space<vmem>>
      %dma_wait3A_281 = tpu.memref_squeeze %dma_wait3A_280 : memref<1x64x128xf32, #tpu.memory_space<vmem>> -> memref<64x128xf32, #tpu.memory_space<vmem>>
      %dma_wait3A_282 = arith.constant 0 : i32
      %dma_wait3A_283 = tpu.memref_slice %arg9[%add3A_113, %dma_wait3A_282] : memref<10112x128xf32, #tpu.memory_space<vmem_shared>> -> memref<64x128xf32, #tpu.memory_space<vmem_shared>>
      %dma_wait3A_284 = arith.constant 0 : i32
      %dma_wait3A_285 = tpu.memref_slice %arg9[%add3A_113, %dma_wait3A_284] : memref<10112x128xf32, #tpu.memory_space<vmem_shared>> -> memref<64x128xf32, #tpu.memory_space<vmem_shared>>
      %dma_wait3A_286 = arith.constant 0 : i32
      %dma_wait3A_287 = arith.constant 0 : i32
      %dma_wait3A_288 = tpu.memref_slice %arg8[%run_scoped3A_114, %dma_wait3A_286, %dma_wait3A_287] : memref<5x64x128xf32, #tpu.memory_space<vmem>> -> memref<1x64x128xf32, #tpu.memory_space<vmem>>
      %dma_wait3A_289 = tpu.memref_squeeze %dma_wait3A_288 : memref<1x64x128xf32, #tpu.memory_space<vmem>> -> memref<64x128xf32, #tpu.memory_space<vmem>>
      tpu.wait_dma2 semaphore(%run_scoped3A_265 : memref<!tpu.dma_semaphore, #tpu.memory_space<semaphore_mem>>) src(%dma_wait3A_289 : memref<64x128xf32, #tpu.memory_space<vmem>>) dst(%dma_wait3A_285 : memref<64x128xf32, #tpu.memory_space<vmem_shared>>)
      tpu.yield
    }) : () -> ()
    %mul3A_115 = arith.constant 632 : i32
    %mul3A_116 = arith.muli %arg1, %mul3A_115 : i32
    %add3A_117 = arith.constant 384 : i32
    %add3A_118 = arith.addi %mul3A_116, %add3A_117 : i32
    %run_scoped3A_119 = arith.constant 0 : i32
    "tpu.region"() ({
      %run_scoped3A_265 = tpu.sem_alloc : memref<!tpu.dma_semaphore, #tpu.memory_space<semaphore_mem>>
      %dma_start3A_266 = arith.constant 0 : i32
      %dma_start3A_267 = arith.constant 0 : i32
      %dma_start3A_268 = tpu.memref_slice %arg8[%run_scoped3A_119, %dma_start3A_266, %dma_start3A_267] : memref<5x64x128xf32, #tpu.memory_space<vmem>> -> memref<1x64x128xf32, #tpu.memory_space<vmem>>
      %dma_start3A_269 = tpu.memref_squeeze %dma_start3A_268 : memref<1x64x128xf32, #tpu.memory_space<vmem>> -> memref<64x128xf32, #tpu.memory_space<vmem>>
      %dma_start3A_270 = arith.constant 0 : i32
      %dma_start3A_271 = tpu.memref_slice %arg9[%add3A_118, %dma_start3A_270] : memref<10112x128xf32, #tpu.memory_space<vmem_shared>> -> memref<64x128xf32, #tpu.memory_space<vmem_shared>>
      %dma_start3A_272 = arith.constant 0 : i32
      %dma_start3A_273 = tpu.memref_slice %arg9[%add3A_118, %dma_start3A_272] : memref<10112x128xf32, #tpu.memory_space<vmem_shared>> -> memref<64x128xf32, #tpu.memory_space<vmem_shared>>
      %dma_start3A_274 = arith.constant 0 : i32
      %dma_start3A_275 = arith.constant 0 : i32
      %dma_start3A_276 = tpu.memref_slice %arg8[%run_scoped3A_119, %dma_start3A_274, %dma_start3A_275] : memref<5x64x128xf32, #tpu.memory_space<vmem>> -> memref<1x64x128xf32, #tpu.memory_space<vmem>>
      %dma_start3A_277 = tpu.memref_squeeze %dma_start3A_276 : memref<1x64x128xf32, #tpu.memory_space<vmem>> -> memref<64x128xf32, #tpu.memory_space<vmem>>
      tpu.enqueue_dma source(%dma_start3A_277 : memref<64x128xf32, #tpu.memory_space<vmem>>) target(%dma_start3A_273 : memref<64x128xf32, #tpu.memory_space<vmem_shared>>) target_semaphore(%run_scoped3A_265 : memref<!tpu.dma_semaphore, #tpu.memory_space<semaphore_mem>>)
      %dma_wait3A_278 = arith.constant 0 : i32
      %dma_wait3A_279 = arith.constant 0 : i32
      %dma_wait3A_280 = tpu.memref_slice %arg8[%run_scoped3A_119, %dma_wait3A_278, %dma_wait3A_279] : memref<5x64x128xf32, #tpu.memory_space<vmem>> -> memref<1x64x128xf32, #tpu.memory_space<vmem>>
      %dma_wait3A_281 = tpu.memref_squeeze %dma_wait3A_280 : memref<1x64x128xf32, #tpu.memory_space<vmem>> -> memref<64x128xf32, #tpu.memory_space<vmem>>
      %dma_wait3A_282 = arith.constant 0 : i32
      %dma_wait3A_283 = tpu.memref_slice %arg9[%add3A_118, %dma_wait3A_282] : memref<10112x128xf32, #tpu.memory_space<vmem_shared>> -> memref<64x128xf32, #tpu.memory_space<vmem_shared>>
      %dma_wait3A_284 = arith.constant 0 : i32
      %dma_wait3A_285 = tpu.memref_slice %arg9[%add3A_118, %dma_wait3A_284] : memref<10112x128xf32, #tpu.memory_space<vmem_shared>> -> memref<64x128xf32, #tpu.memory_space<vmem_shared>>
      %dma_wait3A_286 = arith.constant 0 : i32
      %dma_wait3A_287 = arith.constant 0 : i32
      %dma_wait3A_288 = tpu.memref_slice %arg8[%run_scoped3A_119, %dma_wait3A_286, %dma_wait3A_287] : memref<5x64x128xf32, #tpu.memory_space<vmem>> -> memref<1x64x128xf32, #tpu.memory_space<vmem>>
      %dma_wait3A_289 = tpu.memref_squeeze %dma_wait3A_288 : memref<1x64x128xf32, #tpu.memory_space<vmem>> -> memref<64x128xf32, #tpu.memory_space<vmem>>
      tpu.wait_dma2 semaphore(%run_scoped3A_265 : memref<!tpu.dma_semaphore, #tpu.memory_space<semaphore_mem>>) src(%dma_wait3A_289 : memref<64x128xf32, #tpu.memory_space<vmem>>) dst(%dma_wait3A_285 : memref<64x128xf32, #tpu.memory_space<vmem_shared>>)
      tpu.yield
    }) : () -> ()
    %mul3A_120 = arith.constant 632 : i32
    %mul3A_121 = arith.muli %arg1, %mul3A_120 : i32
    %add3A_122 = arith.constant 448 : i32
    %add3A_123 = arith.addi %mul3A_121, %add3A_122 : i32
    %run_scoped3A_124 = arith.constant 0 : i32
    "tpu.region"() ({
      %run_scoped3A_265 = tpu.sem_alloc : memref<!tpu.dma_semaphore, #tpu.memory_space<semaphore_mem>>
      %dma_start3A_266 = arith.constant 0 : i32
      %dma_start3A_267 = arith.constant 0 : i32
      %dma_start3A_268 = tpu.memref_slice %arg8[%run_scoped3A_124, %dma_start3A_266, %dma_start3A_267] : memref<5x64x128xf32, #tpu.memory_space<vmem>> -> memref<1x64x128xf32, #tpu.memory_space<vmem>>
      %dma_start3A_269 = tpu.memref_squeeze %dma_start3A_268 : memref<1x64x128xf32, #tpu.memory_space<vmem>> -> memref<64x128xf32, #tpu.memory_space<vmem>>
      %dma_start3A_270 = arith.constant 0 : i32
      %dma_start3A_271 = tpu.memref_slice %arg9[%add3A_123, %dma_start3A_270] : memref<10112x128xf32, #tpu.memory_space<vmem_shared>> -> memref<64x128xf32, #tpu.memory_space<vmem_shared>>
      %dma_start3A_272 = arith.constant 0 : i32
      %dma_start3A_273 = tpu.memref_slice %arg9[%add3A_123, %dma_start3A_272] : memref<10112x128xf32, #tpu.memory_space<vmem_shared>> -> memref<64x128xf32, #tpu.memory_space<vmem_shared>>
      %dma_start3A_274 = arith.constant 0 : i32
      %dma_start3A_275 = arith.constant 0 : i32
      %dma_start3A_276 = tpu.memref_slice %arg8[%run_scoped3A_124, %dma_start3A_274, %dma_start3A_275] : memref<5x64x128xf32, #tpu.memory_space<vmem>> -> memref<1x64x128xf32, #tpu.memory_space<vmem>>
      %dma_start3A_277 = tpu.memref_squeeze %dma_start3A_276 : memref<1x64x128xf32, #tpu.memory_space<vmem>> -> memref<64x128xf32, #tpu.memory_space<vmem>>
      tpu.enqueue_dma source(%dma_start3A_277 : memref<64x128xf32, #tpu.memory_space<vmem>>) target(%dma_start3A_273 : memref<64x128xf32, #tpu.memory_space<vmem_shared>>) target_semaphore(%run_scoped3A_265 : memref<!tpu.dma_semaphore, #tpu.memory_space<semaphore_mem>>)
      %dma_wait3A_278 = arith.constant 0 : i32
      %dma_wait3A_279 = arith.constant 0 : i32
      %dma_wait3A_280 = tpu.memref_slice %arg8[%run_scoped3A_124, %dma_wait3A_278, %dma_wait3A_279] : memref<5x64x128xf32, #tpu.memory_space<vmem>> -> memref<1x64x128xf32, #tpu.memory_space<vmem>>
      %dma_wait3A_281 = tpu.memref_squeeze %dma_wait3A_280 : memref<1x64x128xf32, #tpu.memory_space<vmem>> -> memref<64x128xf32, #tpu.memory_space<vmem>>
      %dma_wait3A_282 = arith.constant 0 : i32
      %dma_wait3A_283 = tpu.memref_slice %arg9[%add3A_123, %dma_wait3A_282] : memref<10112x128xf32, #tpu.memory_space<vmem_shared>> -> memref<64x128xf32, #tpu.memory_space<vmem_shared>>
      %dma_wait3A_284 = arith.constant 0 : i32
      %dma_wait3A_285 = tpu.memref_slice %arg9[%add3A_123, %dma_wait3A_284] : memref<10112x128xf32, #tpu.memory_space<vmem_shared>> -> memref<64x128xf32, #tpu.memory_space<vmem_shared>>
      %dma_wait3A_286 = arith.constant 0 : i32
      %dma_wait3A_287 = arith.constant 0 : i32
      %dma_wait3A_288 = tpu.memref_slice %arg8[%run_scoped3A_124, %dma_wait3A_286, %dma_wait3A_287] : memref<5x64x128xf32, #tpu.memory_space<vmem>> -> memref<1x64x128xf32, #tpu.memory_space<vmem>>
      %dma_wait3A_289 = tpu.memref_squeeze %dma_wait3A_288 : memref<1x64x128xf32, #tpu.memory_space<vmem>> -> memref<64x128xf32, #tpu.memory_space<vmem>>
      tpu.wait_dma2 semaphore(%run_scoped3A_265 : memref<!tpu.dma_semaphore, #tpu.memory_space<semaphore_mem>>) src(%dma_wait3A_289 : memref<64x128xf32, #tpu.memory_space<vmem>>) dst(%dma_wait3A_285 : memref<64x128xf32, #tpu.memory_space<vmem_shared>>)
      tpu.yield
    }) : () -> ()
    %mul3A_125 = arith.constant 632 : i32
    %mul3A_126 = arith.muli %arg1, %mul3A_125 : i32
    %add3A_127 = arith.constant 512 : i32
    %add3A_128 = arith.addi %mul3A_126, %add3A_127 : i32
    %run_scoped3A_129 = arith.constant 0 : i32
    "tpu.region"() ({
      %run_scoped3A_265 = tpu.sem_alloc : memref<!tpu.dma_semaphore, #tpu.memory_space<semaphore_mem>>
      %dma_start3A_266 = arith.constant 0 : i32
      %dma_start3A_267 = arith.constant 0 : i32
      %dma_start3A_268 = tpu.memref_slice %arg8[%run_scoped3A_129, %dma_start3A_266, %dma_start3A_267] : memref<5x64x128xf32, #tpu.memory_space<vmem>> -> memref<1x64x128xf32, #tpu.memory_space<vmem>>
      %dma_start3A_269 = tpu.memref_squeeze %dma_start3A_268 : memref<1x64x128xf32, #tpu.memory_space<vmem>> -> memref<64x128xf32, #tpu.memory_space<vmem>>
      %dma_start3A_270 = arith.constant 0 : i32
      %dma_start3A_271 = tpu.memref_slice %arg9[%add3A_128, %dma_start3A_270] : memref<10112x128xf32, #tpu.memory_space<vmem_shared>> -> memref<64x128xf32, #tpu.memory_space<vmem_shared>>
      %dma_start3A_272 = arith.constant 0 : i32
      %dma_start3A_273 = tpu.memref_slice %arg9[%add3A_128, %dma_start3A_272] : memref<10112x128xf32, #tpu.memory_space<vmem_shared>> -> memref<64x128xf32, #tpu.memory_space<vmem_shared>>
      %dma_start3A_274 = arith.constant 0 : i32
      %dma_start3A_275 = arith.constant 0 : i32
      %dma_start3A_276 = tpu.memref_slice %arg8[%run_scoped3A_129, %dma_start3A_274, %dma_start3A_275] : memref<5x64x128xf32, #tpu.memory_space<vmem>> -> memref<1x64x128xf32, #tpu.memory_space<vmem>>
      %dma_start3A_277 = tpu.memref_squeeze %dma_start3A_276 : memref<1x64x128xf32, #tpu.memory_space<vmem>> -> memref<64x128xf32, #tpu.memory_space<vmem>>
      tpu.enqueue_dma source(%dma_start3A_277 : memref<64x128xf32, #tpu.memory_space<vmem>>) target(%dma_start3A_273 : memref<64x128xf32, #tpu.memory_space<vmem_shared>>) target_semaphore(%run_scoped3A_265 : memref<!tpu.dma_semaphore, #tpu.memory_space<semaphore_mem>>)
      %dma_wait3A_278 = arith.constant 0 : i32
      %dma_wait3A_279 = arith.constant 0 : i32
      %dma_wait3A_280 = tpu.memref_slice %arg8[%run_scoped3A_129, %dma_wait3A_278, %dma_wait3A_279] : memref<5x64x128xf32, #tpu.memory_space<vmem>> -> memref<1x64x128xf32, #tpu.memory_space<vmem>>
      %dma_wait3A_281 = tpu.memref_squeeze %dma_wait3A_280 : memref<1x64x128xf32, #tpu.memory_space<vmem>> -> memref<64x128xf32, #tpu.memory_space<vmem>>
      %dma_wait3A_282 = arith.constant 0 : i32
      %dma_wait3A_283 = tpu.memref_slice %arg9[%add3A_128, %dma_wait3A_282] : memref<10112x128xf32, #tpu.memory_space<vmem_shared>> -> memref<64x128xf32, #tpu.memory_space<vmem_shared>>
      %dma_wait3A_284 = arith.constant 0 : i32
      %dma_wait3A_285 = tpu.memref_slice %arg9[%add3A_128, %dma_wait3A_284] : memref<10112x128xf32, #tpu.memory_space<vmem_shared>> -> memref<64x128xf32, #tpu.memory_space<vmem_shared>>
      %dma_wait3A_286 = arith.constant 0 : i32
      %dma_wait3A_287 = arith.constant 0 : i32
      %dma_wait3A_288 = tpu.memref_slice %arg8[%run_scoped3A_129, %dma_wait3A_286, %dma_wait3A_287] : memref<5x64x128xf32, #tpu.memory_space<vmem>> -> memref<1x64x128xf32, #tpu.memory_space<vmem>>
      %dma_wait3A_289 = tpu.memref_squeeze %dma_wait3A_288 : memref<1x64x128xf32, #tpu.memory_space<vmem>> -> memref<64x128xf32, #tpu.memory_space<vmem>>
      tpu.wait_dma2 semaphore(%run_scoped3A_265 : memref<!tpu.dma_semaphore, #tpu.memory_space<semaphore_mem>>) src(%dma_wait3A_289 : memref<64x128xf32, #tpu.memory_space<vmem>>) dst(%dma_wait3A_285 : memref<64x128xf32, #tpu.memory_space<vmem_shared>>)
      tpu.yield
    }) : () -> ()
    %mul3A_130 = arith.constant 632 : i32
    %mul3A_131 = arith.muli %arg1, %mul3A_130 : i32
    %add3A_132 = arith.constant 576 : i32
    %add3A_133 = arith.addi %mul3A_131, %add3A_132 : i32
    %run_scoped3A_134 = arith.constant 0 : i32
    "tpu.region"() ({
      %run_scoped3A_265 = tpu.sem_alloc : memref<!tpu.dma_semaphore, #tpu.memory_space<semaphore_mem>>
      %dma_start3A_266 = arith.constant 0 : i32
      %dma_start3A_267 = arith.constant 0 : i32
      %dma_start3A_268 = tpu.memref_slice %arg8[%run_scoped3A_134, %dma_start3A_266, %dma_start3A_267] : memref<5x64x128xf32, #tpu.memory_space<vmem>> -> memref<1x56x128xf32, #tpu.memory_space<vmem>>
      %dma_start3A_269 = tpu.memref_squeeze %dma_start3A_268 : memref<1x56x128xf32, #tpu.memory_space<vmem>> -> memref<56x128xf32, #tpu.memory_space<vmem>>
      %dma_start3A_270 = arith.constant 0 : i32
      %dma_start3A_271 = tpu.memref_slice %arg9[%add3A_133, %dma_start3A_270] : memref<10112x128xf32, #tpu.memory_space<vmem_shared>> -> memref<56x128xf32, #tpu.memory_space<vmem_shared>>
      %dma_start3A_272 = arith.constant 0 : i32
      %dma_start3A_273 = tpu.memref_slice %arg9[%add3A_133, %dma_start3A_272] : memref<10112x128xf32, #tpu.memory_space<vmem_shared>> -> memref<56x128xf32, #tpu.memory_space<vmem_shared>>
      %dma_start3A_274 = arith.constant 0 : i32
      %dma_start3A_275 = arith.constant 0 : i32
      %dma_start3A_276 = tpu.memref_slice %arg8[%run_scoped3A_134, %dma_start3A_274, %dma_start3A_275] : memref<5x64x128xf32, #tpu.memory_space<vmem>> -> memref<1x56x128xf32, #tpu.memory_space<vmem>>
      %dma_start3A_277 = tpu.memref_squeeze %dma_start3A_276 : memref<1x56x128xf32, #tpu.memory_space<vmem>> -> memref<56x128xf32, #tpu.memory_space<vmem>>
      tpu.enqueue_dma source(%dma_start3A_277 : memref<56x128xf32, #tpu.memory_space<vmem>>) target(%dma_start3A_273 : memref<56x128xf32, #tpu.memory_space<vmem_shared>>) target_semaphore(%run_scoped3A_265 : memref<!tpu.dma_semaphore, #tpu.memory_space<semaphore_mem>>)
      %dma_wait3A_278 = arith.constant 0 : i32
      %dma_wait3A_279 = arith.constant 0 : i32
      %dma_wait3A_280 = tpu.memref_slice %arg8[%run_scoped3A_134, %dma_wait3A_278, %dma_wait3A_279] : memref<5x64x128xf32, #tpu.memory_space<vmem>> -> memref<1x56x128xf32, #tpu.memory_space<vmem>>
      %dma_wait3A_281 = tpu.memref_squeeze %dma_wait3A_280 : memref<1x56x128xf32, #tpu.memory_space<vmem>> -> memref<56x128xf32, #tpu.memory_space<vmem>>
      %dma_wait3A_282 = arith.constant 0 : i32
      %dma_wait3A_283 = tpu.memref_slice %arg9[%add3A_133, %dma_wait3A_282] : memref<10112x128xf32, #tpu.memory_space<vmem_shared>> -> memref<56x128xf32, #tpu.memory_space<vmem_shared>>
      %dma_wait3A_284 = arith.constant 0 : i32
      %dma_wait3A_285 = tpu.memref_slice %arg9[%add3A_133, %dma_wait3A_284] : memref<10112x128xf32, #tpu.memory_space<vmem_shared>> -> memref<56x128xf32, #tpu.memory_space<vmem_shared>>
      %dma_wait3A_286 = arith.constant 0 : i32
      %dma_wait3A_287 = arith.constant 0 : i32
      %dma_wait3A_288 = tpu.memref_slice %arg8[%run_scoped3A_134, %dma_wait3A_286, %dma_wait3A_287] : memref<5x64x128xf32, #tpu.memory_space<vmem>> -> memref<1x56x128xf32, #tpu.memory_space<vmem>>
      %dma_wait3A_289 = tpu.memref_squeeze %dma_wait3A_288 : memref<1x56x128xf32, #tpu.memory_space<vmem>> -> memref<56x128xf32, #tpu.memory_space<vmem>>
      tpu.wait_dma2 semaphore(%run_scoped3A_265 : memref<!tpu.dma_semaphore, #tpu.memory_space<semaphore_mem>>) src(%dma_wait3A_289 : memref<56x128xf32, #tpu.memory_space<vmem>>) dst(%dma_wait3A_285 : memref<56x128xf32, #tpu.memory_space<vmem_shared>>)
      tpu.yield
    }) : () -> ()
    %barrier3A = arith.constant 0 : index
    tpu.barrier barrier_id(%barrier3A)
    %dma_wait3A = arith.constant 0 : i32
    %dma_wait3A_135 = arith.constant 0 : i32
    %dma_wait3A_136 = arith.constant 0 : i32
    %dma_wait3A_137 = arith.constant 0 : i32
    %dma_wait3A_138 = tpu.memref_slice %arg6[%dma_wait3A, %dma_wait3A_136, %dma_wait3A_137] : memref<2x16x64xi32, #tpu.memory_space<vmem>> -> memref<1x16x64xi32, #tpu.memory_space<vmem>>
    %dma_wait3A_139 = tpu.memref_squeeze %dma_wait3A_138 : memref<1x16x64xi32, #tpu.memory_space<vmem>> -> memref<16x64xi32, #tpu.memory_space<vmem>>
    %dma_wait3A_140 = arith.constant 0 : i32
    %dma_wait3A_141 = arith.constant 0 : i32
    %dma_wait3A_142 = tpu.memref_slice %arg3[%add3A, %dma_wait3A_140, %dma_wait3A_141] : memref<32x160x64xi32, #tpu.memory_space<hbm>> -> memref<1x16x64xi32, #tpu.memory_space<hbm>>
    %dma_wait3A_143 = tpu.memref_squeeze %dma_wait3A_142 : memref<1x16x64xi32, #tpu.memory_space<hbm>> -> memref<16x64xi32, #tpu.memory_space<hbm>>
    %dma_wait3A_144 = tpu.memref_slice %arg11[%dma_wait3A_135] : memref<2x!tpu.dma_semaphore, #tpu.memory_space<semaphore_mem>> -> memref<1x!tpu.dma_semaphore, #tpu.memory_space<semaphore_mem>>
    %dma_wait3A_145 = tpu.memref_squeeze %dma_wait3A_144 : memref<1x!tpu.dma_semaphore, #tpu.memory_space<semaphore_mem>> -> memref<!tpu.dma_semaphore, #tpu.memory_space<semaphore_mem>>
    %dma_wait3A_146 = arith.constant 0 : i32
    %dma_wait3A_147 = arith.constant 0 : i32
    %dma_wait3A_148 = tpu.memref_slice %arg6[%dma_wait3A, %dma_wait3A_146, %dma_wait3A_147] : memref<2x16x64xi32, #tpu.memory_space<vmem>> -> memref<1x16x64xi32, #tpu.memory_space<vmem>>
    %dma_wait3A_149 = tpu.memref_squeeze %dma_wait3A_148 : memref<1x16x64xi32, #tpu.memory_space<vmem>> -> memref<16x64xi32, #tpu.memory_space<vmem>>
    %dma_wait3A_150 = arith.constant 0 : i32
    %dma_wait3A_151 = arith.constant 0 : i32
    %dma_wait3A_152 = tpu.memref_slice %arg3[%add3A, %dma_wait3A_150, %dma_wait3A_151] : memref<32x160x64xi32, #tpu.memory_space<hbm>> -> memref<1x16x64xi32, #tpu.memory_space<hbm>>
    %dma_wait3A_153 = tpu.memref_squeeze %dma_wait3A_152 : memref<1x16x64xi32, #tpu.memory_space<hbm>> -> memref<16x64xi32, #tpu.memory_space<hbm>>
    tpu.wait_dma2 semaphore(%dma_wait3A_145 : memref<!tpu.dma_semaphore, #tpu.memory_space<semaphore_mem>>) src(%dma_wait3A_153 : memref<16x64xi32, #tpu.memory_space<hbm>>) dst(%dma_wait3A_149 : memref<16x64xi32, #tpu.memory_space<vmem>>)
    %dma_wait3A_154 = arith.constant 0 : i32
    %dma_wait3A_155 = arith.constant 0 : i32
    %dma_wait3A_156 = arith.constant 0 : i32
    %dma_wait3A_157 = arith.constant 0 : i32
    %dma_wait3A_158 = tpu.memref_slice %arg7[%dma_wait3A_154, %dma_wait3A_156, %dma_wait3A_157] : memref<2x16x64xi32, #tpu.memory_space<vmem>> -> memref<1x16x64xi32, #tpu.memory_space<vmem>>
    %dma_wait3A_159 = tpu.memref_squeeze %dma_wait3A_158 : memref<1x16x64xi32, #tpu.memory_space<vmem>> -> memref<16x64xi32, #tpu.memory_space<vmem>>
    %dma_wait3A_160 = arith.constant 0 : i32
    %dma_wait3A_161 = arith.constant 0 : i32
    %dma_wait3A_162 = tpu.memref_slice %arg4[%add3A, %dma_wait3A_160, %dma_wait3A_161] : memref<32x160x64xi32, #tpu.memory_space<hbm>> -> memref<1x16x64xi32, #tpu.memory_space<hbm>>
    %dma_wait3A_163 = tpu.memref_squeeze %dma_wait3A_162 : memref<1x16x64xi32, #tpu.memory_space<hbm>> -> memref<16x64xi32, #tpu.memory_space<hbm>>
    %dma_wait3A_164 = tpu.memref_slice %arg11[%dma_wait3A_155] : memref<2x!tpu.dma_semaphore, #tpu.memory_space<semaphore_mem>> -> memref<1x!tpu.dma_semaphore, #tpu.memory_space<semaphore_mem>>
    %dma_wait3A_165 = tpu.memref_squeeze %dma_wait3A_164 : memref<1x!tpu.dma_semaphore, #tpu.memory_space<semaphore_mem>> -> memref<!tpu.dma_semaphore, #tpu.memory_space<semaphore_mem>>
    %dma_wait3A_166 = arith.constant 0 : i32
    %dma_wait3A_167 = arith.constant 0 : i32
    %dma_wait3A_168 = tpu.memref_slice %arg7[%dma_wait3A_154, %dma_wait3A_166, %dma_wait3A_167] : memref<2x16x64xi32, #tpu.memory_space<vmem>> -> memref<1x16x64xi32, #tpu.memory_space<vmem>>
    %dma_wait3A_169 = tpu.memref_squeeze %dma_wait3A_168 : memref<1x16x64xi32, #tpu.memory_space<vmem>> -> memref<16x64xi32, #tpu.memory_space<vmem>>
    %dma_wait3A_170 = arith.constant 0 : i32
    %dma_wait3A_171 = arith.constant 0 : i32
    %dma_wait3A_172 = tpu.memref_slice %arg4[%add3A, %dma_wait3A_170, %dma_wait3A_171] : memref<32x160x64xi32, #tpu.memory_space<hbm>> -> memref<1x16x64xi32, #tpu.memory_space<hbm>>
    %dma_wait3A_173 = tpu.memref_squeeze %dma_wait3A_172 : memref<1x16x64xi32, #tpu.memory_space<hbm>> -> memref<16x64xi32, #tpu.memory_space<hbm>>
    tpu.wait_dma2 semaphore(%dma_wait3A_165 : memref<!tpu.dma_semaphore, #tpu.memory_space<semaphore_mem>>) src(%dma_wait3A_173 : memref<16x64xi32, #tpu.memory_space<hbm>>) dst(%dma_wait3A_169 : memref<16x64xi32, #tpu.memory_space<vmem>>)
    %dma_start3A_174 = arith.constant 0 : i32
    %dma_start3A_175 = arith.constant 0 : i32
    %dma_start3A_176 = arith.constant 0 : i32
    %dma_start3A_177 = arith.constant 0 : i32
    %dma_start3A_178 = arith.constant 0 : i32
    %dma_start3A_179 = arith.constant 0 : i32
    %dma_start3A_180 = tpu.memref_slice %arg8[%dma_start3A_176, %dma_start3A_178, %dma_start3A_179] : memref<5x64x128xf32, #tpu.memory_space<vmem>> -> memref<1x64x128xf32, #tpu.memory_space<vmem>>
    %dma_start3A_181 = tpu.memref_squeeze %dma_start3A_180 : memref<1x64x128xf32, #tpu.memory_space<vmem>> -> memref<64x128xf32, #tpu.memory_space<vmem>>
    %dma_start3A_182 = arith.constant 0 : i32
    %dma_start3A_183 = tpu.memref_slice %arg6[%dma_start3A_174, %dma_start3A_175, %dma_start3A_182] : memref<2x16x64xi32, #tpu.memory_space<vmem>> -> memref<1x1x64xi32, #tpu.memory_space<vmem>>
    %dma_start3A_184 = tpu.memref_squeeze %dma_start3A_183 : memref<1x1x64xi32, #tpu.memory_space<vmem>> -> memref<64xi32, #tpu.memory_space<vmem>>
    %dma_start3A_185 = arith.constant 0 : i32
    %dma_start3A_186 = arith.constant 0 : i32
    %dma_start3A_187 = tpu.memref_slice %arg2[%dma_start3A_185, %dma_start3A_186] : memref<10112x128xf32, #tpu.memory_space<hbm>> -> memref<10112x128xf32, #tpu.memory_space<hbm>>
    %dma_start3A_188 = tpu.memref_slice %arg10[%dma_start3A_177] : memref<5x!tpu.dma_semaphore, #tpu.memory_space<semaphore_mem>> -> memref<1x!tpu.dma_semaphore, #tpu.memory_space<semaphore_mem>>
    %dma_start3A_189 = tpu.memref_squeeze %dma_start3A_188 : memref<1x!tpu.dma_semaphore, #tpu.memory_space<semaphore_mem>> -> memref<!tpu.dma_semaphore, #tpu.memory_space<semaphore_mem>>
    tpu.enqueue_indirect_dma source(%dma_start3A_187 : memref<10112x128xf32, #tpu.memory_space<hbm>>) target(%dma_start3A_181 : memref<64x128xf32, #tpu.memory_space<vmem>>) offsets(%dma_start3A_184 : memref<64xi32, #tpu.memory_space<vmem>>) semaphore(%dma_start3A_189 : memref<!tpu.dma_semaphore, #tpu.memory_space<semaphore_mem>>)
    %dma_start3A_190 = arith.constant 0 : i32
    %dma_start3A_191 = arith.constant 1 : i32
    %dma_start3A_192 = arith.constant 1 : i32
    %dma_start3A_193 = arith.constant 1 : i32
    %dma_start3A_194 = arith.constant 0 : i32
    %dma_start3A_195 = arith.constant 0 : i32
    %dma_start3A_196 = tpu.memref_slice %arg8[%dma_start3A_192, %dma_start3A_194, %dma_start3A_195] : memref<5x64x128xf32, #tpu.memory_space<vmem>> -> memref<1x64x128xf32, #tpu.memory_space<vmem>>
    %dma_start3A_197 = tpu.memref_squeeze %dma_start3A_196 : memref<1x64x128xf32, #tpu.memory_space<vmem>> -> memref<64x128xf32, #tpu.memory_space<vmem>>
    %dma_start3A_198 = arith.constant 0 : i32
    %dma_start3A_199 = tpu.memref_slice %arg6[%dma_start3A_190, %dma_start3A_191, %dma_start3A_198] : memref<2x16x64xi32, #tpu.memory_space<vmem>> -> memref<1x1x64xi32, #tpu.memory_space<vmem>>
    %dma_start3A_200 = tpu.memref_squeeze %dma_start3A_199 : memref<1x1x64xi32, #tpu.memory_space<vmem>> -> memref<64xi32, #tpu.memory_space<vmem>>
    %dma_start3A_201 = arith.constant 0 : i32
    %dma_start3A_202 = arith.constant 0 : i32
    %dma_start3A_203 = tpu.memref_slice %arg2[%dma_start3A_201, %dma_start3A_202] : memref<10112x128xf32, #tpu.memory_space<hbm>> -> memref<10112x128xf32, #tpu.memory_space<hbm>>
    %dma_start3A_204 = tpu.memref_slice %arg10[%dma_start3A_193] : memref<5x!tpu.dma_semaphore, #tpu.memory_space<semaphore_mem>> -> memref<1x!tpu.dma_semaphore, #tpu.memory_space<semaphore_mem>>
    %dma_start3A_205 = tpu.memref_squeeze %dma_start3A_204 : memref<1x!tpu.dma_semaphore, #tpu.memory_space<semaphore_mem>> -> memref<!tpu.dma_semaphore, #tpu.memory_space<semaphore_mem>>
    tpu.enqueue_indirect_dma source(%dma_start3A_203 : memref<10112x128xf32, #tpu.memory_space<hbm>>) target(%dma_start3A_197 : memref<64x128xf32, #tpu.memory_space<vmem>>) offsets(%dma_start3A_200 : memref<64xi32, #tpu.memory_space<vmem>>) semaphore(%dma_start3A_205 : memref<!tpu.dma_semaphore, #tpu.memory_space<semaphore_mem>>)
    %dma_start3A_206 = arith.constant 0 : i32
    %dma_start3A_207 = arith.constant 2 : i32
    %dma_start3A_208 = arith.constant 2 : i32
    %dma_start3A_209 = arith.constant 2 : i32
    %dma_start3A_210 = arith.constant 0 : i32
    %dma_start3A_211 = arith.constant 0 : i32
    %dma_start3A_212 = tpu.memref_slice %arg8[%dma_start3A_208, %dma_start3A_210, %dma_start3A_211] : memref<5x64x128xf32, #tpu.memory_space<vmem>> -> memref<1x64x128xf32, #tpu.memory_space<vmem>>
    %dma_start3A_213 = tpu.memref_squeeze %dma_start3A_212 : memref<1x64x128xf32, #tpu.memory_space<vmem>> -> memref<64x128xf32, #tpu.memory_space<vmem>>
    %dma_start3A_214 = arith.constant 0 : i32
    %dma_start3A_215 = tpu.memref_slice %arg6[%dma_start3A_206, %dma_start3A_207, %dma_start3A_214] : memref<2x16x64xi32, #tpu.memory_space<vmem>> -> memref<1x1x64xi32, #tpu.memory_space<vmem>>
    %dma_start3A_216 = tpu.memref_squeeze %dma_start3A_215 : memref<1x1x64xi32, #tpu.memory_space<vmem>> -> memref<64xi32, #tpu.memory_space<vmem>>
    %dma_start3A_217 = arith.constant 0 : i32
    %dma_start3A_218 = arith.constant 0 : i32
    %dma_start3A_219 = tpu.memref_slice %arg2[%dma_start3A_217, %dma_start3A_218] : memref<10112x128xf32, #tpu.memory_space<hbm>> -> memref<10112x128xf32, #tpu.memory_space<hbm>>
    %dma_start3A_220 = tpu.memref_slice %arg10[%dma_start3A_209] : memref<5x!tpu.dma_semaphore, #tpu.memory_space<semaphore_mem>> -> memref<1x!tpu.dma_semaphore, #tpu.memory_space<semaphore_mem>>
    %dma_start3A_221 = tpu.memref_squeeze %dma_start3A_220 : memref<1x!tpu.dma_semaphore, #tpu.memory_space<semaphore_mem>> -> memref<!tpu.dma_semaphore, #tpu.memory_space<semaphore_mem>>
    tpu.enqueue_indirect_dma source(%dma_start3A_219 : memref<10112x128xf32, #tpu.memory_space<hbm>>) target(%dma_start3A_213 : memref<64x128xf32, #tpu.memory_space<vmem>>) offsets(%dma_start3A_216 : memref<64xi32, #tpu.memory_space<vmem>>) semaphore(%dma_start3A_221 : memref<!tpu.dma_semaphore, #tpu.memory_space<semaphore_mem>>)
    %dma_start3A_222 = arith.constant 0 : i32
    %dma_start3A_223 = arith.constant 3 : i32
    %dma_start3A_224 = arith.constant 3 : i32
    %dma_start3A_225 = arith.constant 3 : i32
    %dma_start3A_226 = arith.constant 0 : i32
    %dma_start3A_227 = arith.constant 0 : i32
    %dma_start3A_228 = tpu.memref_slice %arg8[%dma_start3A_224, %dma_start3A_226, %dma_start3A_227] : memref<5x64x128xf32, #tpu.memory_space<vmem>> -> memref<1x64x128xf32, #tpu.memory_space<vmem>>
    %dma_start3A_229 = tpu.memref_squeeze %dma_start3A_228 : memref<1x64x128xf32, #tpu.memory_space<vmem>> -> memref<64x128xf32, #tpu.memory_space<vmem>>
    %dma_start3A_230 = arith.constant 0 : i32
    %dma_start3A_231 = tpu.memref_slice %arg6[%dma_start3A_222, %dma_start3A_223, %dma_start3A_230] : memref<2x16x64xi32, #tpu.memory_space<vmem>> -> memref<1x1x64xi32, #tpu.memory_space<vmem>>
    %dma_start3A_232 = tpu.memref_squeeze %dma_start3A_231 : memref<1x1x64xi32, #tpu.memory_space<vmem>> -> memref<64xi32, #tpu.memory_space<vmem>>
    %dma_start3A_233 = arith.constant 0 : i32
    %dma_start3A_234 = arith.constant 0 : i32
    %dma_start3A_235 = tpu.memref_slice %arg2[%dma_start3A_233, %dma_start3A_234] : memref<10112x128xf32, #tpu.memory_space<hbm>> -> memref<10112x128xf32, #tpu.memory_space<hbm>>
    %dma_start3A_236 = tpu.memref_slice %arg10[%dma_start3A_225] : memref<5x!tpu.dma_semaphore, #tpu.memory_space<semaphore_mem>> -> memref<1x!tpu.dma_semaphore, #tpu.memory_space<semaphore_mem>>
    %dma_start3A_237 = tpu.memref_squeeze %dma_start3A_236 : memref<1x!tpu.dma_semaphore, #tpu.memory_space<semaphore_mem>> -> memref<!tpu.dma_semaphore, #tpu.memory_space<semaphore_mem>>
    tpu.enqueue_indirect_dma source(%dma_start3A_235 : memref<10112x128xf32, #tpu.memory_space<hbm>>) target(%dma_start3A_229 : memref<64x128xf32, #tpu.memory_space<vmem>>) offsets(%dma_start3A_232 : memref<64xi32, #tpu.memory_space<vmem>>) semaphore(%dma_start3A_237 : memref<!tpu.dma_semaphore, #tpu.memory_space<semaphore_mem>>)
    %dma_start3A_238 = arith.constant 0 : i32
    %dma_start3A_239 = arith.constant 4 : i32
    %dma_start3A_240 = arith.constant 4 : i32
    %dma_start3A_241 = arith.constant 4 : i32
    %dma_start3A_242 = arith.constant 0 : i32
    %dma_start3A_243 = arith.constant 0 : i32
    %dma_start3A_244 = tpu.memref_slice %arg8[%dma_start3A_240, %dma_start3A_242, %dma_start3A_243] : memref<5x64x128xf32, #tpu.memory_space<vmem>> -> memref<1x64x128xf32, #tpu.memory_space<vmem>>
    %dma_start3A_245 = tpu.memref_squeeze %dma_start3A_244 : memref<1x64x128xf32, #tpu.memory_space<vmem>> -> memref<64x128xf32, #tpu.memory_space<vmem>>
    %dma_start3A_246 = arith.constant 0 : i32
    %dma_start3A_247 = tpu.memref_slice %arg6[%dma_start3A_238, %dma_start3A_239, %dma_start3A_246] : memref<2x16x64xi32, #tpu.memory_space<vmem>> -> memref<1x1x64xi32, #tpu.memory_space<vmem>>
    %dma_start3A_248 = tpu.memref_squeeze %dma_start3A_247 : memref<1x1x64xi32, #tpu.memory_space<vmem>> -> memref<64xi32, #tpu.memory_space<vmem>>
    %dma_start3A_249 = arith.constant 0 : i32
    %dma_start3A_250 = arith.constant 0 : i32
    %dma_start3A_251 = tpu.memref_slice %arg2[%dma_start3A_249, %dma_start3A_250] : memref<10112x128xf32, #tpu.memory_space<hbm>> -> memref<10112x128xf32, #tpu.memory_space<hbm>>
    %dma_start3A_252 = tpu.memref_slice %arg10[%dma_start3A_241] : memref<5x!tpu.dma_semaphore, #tpu.memory_space<semaphore_mem>> -> memref<1x!tpu.dma_semaphore, #tpu.memory_space<semaphore_mem>>
    %dma_start3A_253 = tpu.memref_squeeze %dma_start3A_252 : memref<1x!tpu.dma_semaphore, #tpu.memory_space<semaphore_mem>> -> memref<!tpu.dma_semaphore, #tpu.memory_space<semaphore_mem>>
    tpu.enqueue_indirect_dma source(%dma_start3A_251 : memref<10112x128xf32, #tpu.memory_space<hbm>>) target(%dma_start3A_245 : memref<64x128xf32, #tpu.memory_space<vmem>>) offsets(%dma_start3A_248 : memref<64xi32, #tpu.memory_space<vmem>>) semaphore(%dma_start3A_253 : memref<!tpu.dma_semaphore, #tpu.memory_space<semaphore_mem>>)
    %scan3A_254 = arith.constant 0 : i32
    %scan3A_255 = arith.constant 0 : i32
    %scan3A_256 = arith.constant 160 : i32
    %scan3A_257 = arith.addi %scan3A_255, %scan3A_256 : i32
    %scan3A_258 = arith.constant 1 : i32
    scf.for %scan3A_265 = %scan3A_255 to %scan3A_257 step %scan3A_258  : i32 {
      %rem3A = arith.constant 5 : i32
      %rem3A_266 = arith.remsi %scan3A_265, %rem3A : i32
      %jit3A = arith.constant 16 : i32
      %div3A = arith.divsi %scan3A_265, %jit3A : i32
      %sign3A = arith.constant 0 : i32
      %sign3A_267 = arith.cmpi sgt, %scan3A_265, %sign3A : i32
      %sign3A_268 = arith.extui %sign3A_267 : i1 to i32
      %sign3A_269 = arith.constant 0 : i32
      %sign3A_270 = arith.cmpi slt, %scan3A_265, %sign3A_269 : i32
      %sign3A_271 = arith.extui %sign3A_270 : i1 to i32
      %sign3A_272 = arith.subi %sign3A_268, %sign3A_271 : i32
      %sign3A_273 = arith.constant 0 : i32
      %sign3A_274 = arith.cmpi sgt, %jit3A, %sign3A_273 : i32
      %sign3A_275 = arith.extui %sign3A_274 : i1 to i32
      %sign3A_276 = arith.constant 0 : i32
      %sign3A_277 = arith.cmpi slt, %jit3A, %sign3A_276 : i32
      %sign3A_278 = arith.extui %sign3A_277 : i1 to i32
      %sign3A_279 = arith.subi %sign3A_275, %sign3A_278 : i32
      %ne3A = arith.cmpi ne, %sign3A_272, %sign3A_279 : i32
      %rem3A_280 = arith.remsi %scan3A_265, %jit3A : i32
      %ne3A_281 = arith.constant 0 : i32
      %ne3A_282 = arith.cmpi ne, %rem3A_280, %ne3A_281 : i32
      %and3A = arith.andi %ne3A, %ne3A_282 : i1
      %sub3A = arith.constant 1 : i32
      %sub3A_283 = arith.subi %div3A, %sub3A : i32
      %select_n3A = arith.select %and3A, %sub3A_283, %div3A : i32
      %dma_wait3A_284 = arith.constant 0 : i32
      %dma_wait3A_285 = arith.constant 0 : i32
      %dma_wait3A_286 = arith.constant 0 : i32
      %dma_wait3A_287 = arith.constant 0 : i32
      %dma_wait3A_288 = tpu.memref_slice %arg8[%rem3A_266, %dma_wait3A_286, %dma_wait3A_287] : memref<5x64x128xf32, #tpu.memory_space<vmem>> -> memref<1x64x128xf32, #tpu.memory_space<vmem>>
      %dma_wait3A_289 = tpu.memref_squeeze %dma_wait3A_288 : memref<1x64x128xf32, #tpu.memory_space<vmem>> -> memref<64x128xf32, #tpu.memory_space<vmem>>
      %dma_wait3A_290 = arith.constant 0 : i32
      %dma_wait3A_291 = tpu.memref_slice %arg6[%dma_wait3A_284, %dma_wait3A_285, %dma_wait3A_290] : memref<2x16x64xi32, #tpu.memory_space<vmem>> -> memref<1x1x64xi32, #tpu.memory_space<vmem>>
      %dma_wait3A_292 = tpu.memref_squeeze %dma_wait3A_291 : memref<1x1x64xi32, #tpu.memory_space<vmem>> -> memref<64xi32, #tpu.memory_space<vmem>>
      %dma_wait3A_293 = arith.constant 0 : i32
      %dma_wait3A_294 = arith.constant 0 : i32
      %dma_wait3A_295 = tpu.memref_slice %arg2[%dma_wait3A_293, %dma_wait3A_294] : memref<10112x128xf32, #tpu.memory_space<hbm>> -> memref<10112x128xf32, #tpu.memory_space<hbm>>
      %dma_wait3A_296 = tpu.memref_slice %arg10[%rem3A_266] : memref<5x!tpu.dma_semaphore, #tpu.memory_space<semaphore_mem>> -> memref<1x!tpu.dma_semaphore, #tpu.memory_space<semaphore_mem>>
      %dma_wait3A_297 = tpu.memref_squeeze %dma_wait3A_296 : memref<1x!tpu.dma_semaphore, #tpu.memory_space<semaphore_mem>> -> memref<!tpu.dma_semaphore, #tpu.memory_space<semaphore_mem>>
      tpu.wait_indirect_dma semaphore(%dma_wait3A_297 : memref<!tpu.dma_semaphore, #tpu.memory_space<semaphore_mem>>) src(%dma_wait3A_295 : memref<10112x128xf32, #tpu.memory_space<hbm>>) dst(%dma_wait3A_289 : memref<64x128xf32, #tpu.memory_space<vmem>>)
      %rem3A_298 = arith.constant 2 : i32
      %rem3A_299 = arith.remsi %select_n3A, %rem3A_298 : i32
      %rem3A_300 = arith.constant 16 : i32
      %rem3A_301 = arith.remsi %scan3A_265, %rem3A_300 : i32
      "tpu.region"() ({
        %run_scoped3A_319 = tpu.sem_alloc : memref<!tpu.dma_semaphore, #tpu.memory_space<semaphore_mem>>
        %dma_start3A_320 = arith.constant 0 : i32
        %dma_start3A_321 = arith.constant 0 : i32
        %dma_start3A_322 = tpu.memref_slice %arg8[%rem3A_266, %dma_start3A_320, %dma_start3A_321] : memref<5x64x128xf32, #tpu.memory_space<vmem>> -> memref<1x64x128xf32, #tpu.memory_space<vmem>>
        %dma_start3A_323 = tpu.memref_squeeze %dma_start3A_322 : memref<1x64x128xf32, #tpu.memory_space<vmem>> -> memref<64x128xf32, #tpu.memory_space<vmem>>
        %dma_start3A_324 = arith.constant 0 : i32
        %dma_start3A_325 = tpu.memref_slice %arg7[%rem3A_299, %rem3A_301, %dma_start3A_324] : memref<2x16x64xi32, #tpu.memory_space<vmem>> -> memref<1x1x64xi32, #tpu.memory_space<vmem>>
        %dma_start3A_326 = tpu.memref_squeeze %dma_start3A_325 : memref<1x1x64xi32, #tpu.memory_space<vmem>> -> memref<64xi32, #tpu.memory_space<vmem>>
        %dma_start3A_327 = arith.constant 0 : i32
        %dma_start3A_328 = arith.constant 0 : i32
        %dma_start3A_329 = tpu.memref_slice %arg9[%dma_start3A_327, %dma_start3A_328] : memref<10112x128xf32, #tpu.memory_space<vmem_shared>> -> memref<10112x128xf32, #tpu.memory_space<vmem_shared>>
        tpu.enqueue_indirect_dma source(%dma_start3A_323 : memref<64x128xf32, #tpu.memory_space<vmem>>) target(%dma_start3A_329 : memref<10112x128xf32, #tpu.memory_space<vmem_shared>>) offsets(%dma_start3A_326 : memref<64xi32, #tpu.memory_space<vmem>>) semaphore(%run_scoped3A_319 : memref<!tpu.dma_semaphore, #tpu.memory_space<semaphore_mem>>) {add = true}
        %dma_wait3A_330 = arith.constant 0 : i32
        %dma_wait3A_331 = arith.constant 0 : i32
        %dma_wait3A_332 = tpu.memref_slice %arg8[%rem3A_266, %dma_wait3A_330, %dma_wait3A_331] : memref<5x64x128xf32, #tpu.memory_space<vmem>> -> memref<1x64x128xf32, #tpu.memory_space<vmem>>
        %dma_wait3A_333 = tpu.memref_squeeze %dma_wait3A_332 : memref<1x64x128xf32, #tpu.memory_space<vmem>> -> memref<64x128xf32, #tpu.memory_space<vmem>>
        %dma_wait3A_334 = arith.constant 0 : i32
        %dma_wait3A_335 = tpu.memref_slice %arg7[%rem3A_299, %rem3A_301, %dma_wait3A_334] : memref<2x16x64xi32, #tpu.memory_space<vmem>> -> memref<1x1x64xi32, #tpu.memory_space<vmem>>
        %dma_wait3A_336 = tpu.memref_squeeze %dma_wait3A_335 : memref<1x1x64xi32, #tpu.memory_space<vmem>> -> memref<64xi32, #tpu.memory_space<vmem>>
        %dma_wait3A_337 = arith.constant 0 : i32
        %dma_wait3A_338 = arith.constant 0 : i32
        %dma_wait3A_339 = tpu.memref_slice %arg9[%dma_wait3A_337, %dma_wait3A_338] : memref<10112x128xf32, #tpu.memory_space<vmem_shared>> -> memref<10112x128xf32, #tpu.memory_space<vmem_shared>>
        tpu.wait_indirect_dma semaphore(%run_scoped3A_319 : memref<!tpu.dma_semaphore, #tpu.memory_space<semaphore_mem>>) src(%dma_wait3A_333 : memref<64x128xf32, #tpu.memory_space<vmem>>) dst(%dma_wait3A_339 : memref<10112x128xf32, #tpu.memory_space<vmem_shared>>)
        tpu.yield
      }) : () -> ()
      %rem3A_302 = arith.constant 16 : i32
      %rem3A_303 = arith.remsi %scan3A_265, %rem3A_302 : i32
      %eq3A = arith.constant 0 : i32
      %eq3A_304 = arith.cmpi eq, %rem3A_303, %eq3A : i32
      %gt3A = arith.constant 0 : i32
      %gt3A_305 = arith.cmpi sgt, %scan3A_265, %gt3A : i32
      %and3A_306 = arith.andi %eq3A_304, %gt3A_305 : i1
      %add3A_307 = arith.constant 1 : i32
      %add3A_308 = arith.addi %select_n3A, %add3A_307 : i32
      %lt3A = arith.constant 10 : i32
      %lt3A_309 = arith.cmpi slt, %add3A_308, %lt3A : i32
      %and3A_310 = arith.andi %and3A_306, %lt3A_309 : i1
      %convert_element_type3A = arith.extui %and3A_310 : i1 to i32
      %cond3A = arith.constant 0 : i32
      %cond3A_311 = arith.cmpi ne, %convert_element_type3A, %cond3A : i32
      scf.if %cond3A_311 {
        %add3A_319 = arith.constant 1 : i32
        %add3A_320 = arith.addi %select_n3A, %add3A_319 : i32
        %add3A_321 = arith.constant 1 : i32
        %add3A_322 = arith.addi %select_n3A, %add3A_321 : i32
        %rem3A_323 = arith.constant 2 : i32
        %rem3A_324 = arith.remsi %add3A_322, %rem3A_323 : i32
        %mul3A_325 = arith.constant 16 : i32
        %mul3A_326 = arith.muli %add3A_320, %mul3A_325 : i32
        %dma_start3A_327 = arith.constant 0 : i32
        %dma_start3A_328 = arith.constant 0 : i32
        %dma_start3A_329 = tpu.memref_slice %arg6[%rem3A_324, %dma_start3A_327, %dma_start3A_328] : memref<2x16x64xi32, #tpu.memory_space<vmem>> -> memref<1x16x64xi32, #tpu.memory_space<vmem>>
        %dma_start3A_330 = tpu.memref_squeeze %dma_start3A_329 : memref<1x16x64xi32, #tpu.memory_space<vmem>> -> memref<16x64xi32, #tpu.memory_space<vmem>>
        %dma_start3A_331 = arith.constant 0 : i32
        %dma_start3A_332 = tpu.memref_slice %arg3[%add3A, %mul3A_326, %dma_start3A_331] : memref<32x160x64xi32, #tpu.memory_space<hbm>> -> memref<1x16x64xi32, #tpu.memory_space<hbm>>
        %dma_start3A_333 = tpu.memref_squeeze %dma_start3A_332 : memref<1x16x64xi32, #tpu.memory_space<hbm>> -> memref<16x64xi32, #tpu.memory_space<hbm>>
        %dma_start3A_334 = tpu.memref_slice %arg11[%rem3A_324] : memref<2x!tpu.dma_semaphore, #tpu.memory_space<semaphore_mem>> -> memref<1x!tpu.dma_semaphore, #tpu.memory_space<semaphore_mem>>
        %dma_start3A_335 = tpu.memref_squeeze %dma_start3A_334 : memref<1x!tpu.dma_semaphore, #tpu.memory_space<semaphore_mem>> -> memref<!tpu.dma_semaphore, #tpu.memory_space<semaphore_mem>>
        %dma_start3A_336 = arith.constant 0 : i32
        %dma_start3A_337 = arith.constant 0 : i32
        %dma_start3A_338 = tpu.memref_slice %arg6[%rem3A_324, %dma_start3A_336, %dma_start3A_337] : memref<2x16x64xi32, #tpu.memory_space<vmem>> -> memref<1x16x64xi32, #tpu.memory_space<vmem>>
        %dma_start3A_339 = tpu.memref_squeeze %dma_start3A_338 : memref<1x16x64xi32, #tpu.memory_space<vmem>> -> memref<16x64xi32, #tpu.memory_space<vmem>>
        %dma_start3A_340 = arith.constant 0 : i32
        %dma_start3A_341 = tpu.memref_slice %arg3[%add3A, %mul3A_326, %dma_start3A_340] : memref<32x160x64xi32, #tpu.memory_space<hbm>> -> memref<1x16x64xi32, #tpu.memory_space<hbm>>
        %dma_start3A_342 = tpu.memref_squeeze %dma_start3A_341 : memref<1x16x64xi32, #tpu.memory_space<hbm>> -> memref<16x64xi32, #tpu.memory_space<hbm>>
        tpu.enqueue_dma source(%dma_start3A_342 : memref<16x64xi32, #tpu.memory_space<hbm>>) target(%dma_start3A_339 : memref<16x64xi32, #tpu.memory_space<vmem>>) target_semaphore(%dma_start3A_335 : memref<!tpu.dma_semaphore, #tpu.memory_space<semaphore_mem>>)
        %mul3A_343 = arith.constant 16 : i32
        %mul3A_344 = arith.muli %add3A_320, %mul3A_343 : i32
        %dma_start3A_345 = arith.constant 0 : i32
        %dma_start3A_346 = arith.constant 0 : i32
        %dma_start3A_347 = tpu.memref_slice %arg7[%rem3A_324, %dma_start3A_345, %dma_start3A_346] : memref<2x16x64xi32, #tpu.memory_space<vmem>> -> memref<1x16x64xi32, #tpu.memory_space<vmem>>
        %dma_start3A_348 = tpu.memref_squeeze %dma_start3A_347 : memref<1x16x64xi32, #tpu.memory_space<vmem>> -> memref<16x64xi32, #tpu.memory_space<vmem>>
        %dma_start3A_349 = arith.constant 0 : i32
        %dma_start3A_350 = tpu.memref_slice %arg4[%add3A, %mul3A_344, %dma_start3A_349] : memref<32x160x64xi32, #tpu.memory_space<hbm>> -> memref<1x16x64xi32, #tpu.memory_space<hbm>>
        %dma_start3A_351 = tpu.memref_squeeze %dma_start3A_350 : memref<1x16x64xi32, #tpu.memory_space<hbm>> -> memref<16x64xi32, #tpu.memory_space<hbm>>
        %dma_start3A_352 = tpu.memref_slice %arg11[%rem3A_324] : memref<2x!tpu.dma_semaphore, #tpu.memory_space<semaphore_mem>> -> memref<1x!tpu.dma_semaphore, #tpu.memory_space<semaphore_mem>>
        %dma_start3A_353 = tpu.memref_squeeze %dma_start3A_352 : memref<1x!tpu.dma_semaphore, #tpu.memory_space<semaphore_mem>> -> memref<!tpu.dma_semaphore, #tpu.memory_space<semaphore_mem>>
        %dma_start3A_354 = arith.constant 0 : i32
        %dma_start3A_355 = arith.constant 0 : i32
        %dma_start3A_356 = tpu.memref_slice %arg7[%rem3A_324, %dma_start3A_354, %dma_start3A_355] : memref<2x16x64xi32, #tpu.memory_space<vmem>> -> memref<1x16x64xi32, #tpu.memory_space<vmem>>
        %dma_start3A_357 = tpu.memref_squeeze %dma_start3A_356 : memref<1x16x64xi32, #tpu.memory_space<vmem>> -> memref<16x64xi32, #tpu.memory_space<vmem>>
        %dma_start3A_358 = arith.constant 0 : i32
        %dma_start3A_359 = tpu.memref_slice %arg4[%add3A, %mul3A_344, %dma_start3A_358] : memref<32x160x64xi32, #tpu.memory_space<hbm>> -> memref<1x16x64xi32, #tpu.memory_space<hbm>>
        %dma_start3A_360 = tpu.memref_squeeze %dma_start3A_359 : memref<1x16x64xi32, #tpu.memory_space<hbm>> -> memref<16x64xi32, #tpu.memory_space<hbm>>
        tpu.enqueue_dma source(%dma_start3A_360 : memref<16x64xi32, #tpu.memory_space<hbm>>) target(%dma_start3A_357 : memref<16x64xi32, #tpu.memory_space<vmem>>) target_semaphore(%dma_start3A_353 : memref<!tpu.dma_semaphore, #tpu.memory_space<semaphore_mem>>)
      } else {
      }
      %add3A_312 = arith.constant 5 : i32
      %add3A_313 = arith.addi %scan3A_265, %add3A_312 : i32
      %lt3A_314 = arith.constant 160 : i32
      %lt3A_315 = arith.cmpi slt, %add3A_313, %lt3A_314 : i32
      %convert_element_type3A_316 = arith.extui %lt3A_315 : i1 to i32
      %cond3A_317 = arith.constant 0 : i32
      %cond3A_318 = arith.cmpi ne, %convert_element_type3A_316, %cond3A_317 : i32
      scf.if %cond3A_318 {
        %jit3A_319 = arith.constant 16 : i32
        %div3A_320 = arith.divsi %add3A_313, %jit3A_319 : i32
        %sign3A_321 = arith.constant 0 : i32
        %sign3A_322 = arith.cmpi sgt, %add3A_313, %sign3A_321 : i32
        %sign3A_323 = arith.extui %sign3A_322 : i1 to i32
        %sign3A_324 = arith.constant 0 : i32
        %sign3A_325 = arith.cmpi slt, %add3A_313, %sign3A_324 : i32
        %sign3A_326 = arith.extui %sign3A_325 : i1 to i32
        %sign3A_327 = arith.subi %sign3A_323, %sign3A_326 : i32
        %sign3A_328 = arith.constant 0 : i32
        %sign3A_329 = arith.cmpi sgt, %jit3A_319, %sign3A_328 : i32
        %sign3A_330 = arith.extui %sign3A_329 : i1 to i32
        %sign3A_331 = arith.constant 0 : i32
        %sign3A_332 = arith.cmpi slt, %jit3A_319, %sign3A_331 : i32
        %sign3A_333 = arith.extui %sign3A_332 : i1 to i32
        %sign3A_334 = arith.subi %sign3A_330, %sign3A_333 : i32
        %ne3A_335 = arith.cmpi ne, %sign3A_327, %sign3A_334 : i32
        %rem3A_336 = arith.remsi %add3A_313, %jit3A_319 : i32
        %ne3A_337 = arith.constant 0 : i32
        %ne3A_338 = arith.cmpi ne, %rem3A_336, %ne3A_337 : i32
        %and3A_339 = arith.andi %ne3A_335, %ne3A_338 : i1
        %sub3A_340 = arith.constant 1 : i32
        %sub3A_341 = arith.subi %div3A_320, %sub3A_340 : i32
        %select_n3A_342 = arith.select %and3A_339, %sub3A_341, %div3A_320 : i32
        %rem3A_343 = arith.constant 16 : i32
        %rem3A_344 = arith.remsi %add3A_313, %rem3A_343 : i32
        %eq3A_345 = arith.constant 0 : i32
        %eq3A_346 = arith.cmpi eq, %rem3A_344, %eq3A_345 : i32
        %convert_element_type3A_347 = arith.extui %eq3A_346 : i1 to i32
        %cond3A_348 = arith.constant 0 : i32
        %cond3A_349 = arith.cmpi ne, %convert_element_type3A_347, %cond3A_348 : i32
        scf.if %cond3A_349 {
          %rem3A_366 = arith.constant 2 : i32
          %rem3A_367 = arith.remsi %select_n3A_342, %rem3A_366 : i32
          %dma_wait3A_368 = arith.constant 0 : i32
          %dma_wait3A_369 = arith.constant 0 : i32
          %dma_wait3A_370 = tpu.memref_slice %arg6[%rem3A_367, %dma_wait3A_368, %dma_wait3A_369] : memref<2x16x64xi32, #tpu.memory_space<vmem>> -> memref<1x16x64xi32, #tpu.memory_space<vmem>>
          %dma_wait3A_371 = tpu.memref_squeeze %dma_wait3A_370 : memref<1x16x64xi32, #tpu.memory_space<vmem>> -> memref<16x64xi32, #tpu.memory_space<vmem>>
          %dma_wait3A_372 = arith.constant 0 : i32
          %dma_wait3A_373 = arith.constant 0 : i32
          %dma_wait3A_374 = tpu.memref_slice %arg3[%add3A, %dma_wait3A_372, %dma_wait3A_373] : memref<32x160x64xi32, #tpu.memory_space<hbm>> -> memref<1x16x64xi32, #tpu.memory_space<hbm>>
          %dma_wait3A_375 = tpu.memref_squeeze %dma_wait3A_374 : memref<1x16x64xi32, #tpu.memory_space<hbm>> -> memref<16x64xi32, #tpu.memory_space<hbm>>
          %dma_wait3A_376 = tpu.memref_slice %arg11[%rem3A_367] : memref<2x!tpu.dma_semaphore, #tpu.memory_space<semaphore_mem>> -> memref<1x!tpu.dma_semaphore, #tpu.memory_space<semaphore_mem>>
          %dma_wait3A_377 = tpu.memref_squeeze %dma_wait3A_376 : memref<1x!tpu.dma_semaphore, #tpu.memory_space<semaphore_mem>> -> memref<!tpu.dma_semaphore, #tpu.memory_space<semaphore_mem>>
          %dma_wait3A_378 = arith.constant 0 : i32
          %dma_wait3A_379 = arith.constant 0 : i32
          %dma_wait3A_380 = tpu.memref_slice %arg6[%rem3A_367, %dma_wait3A_378, %dma_wait3A_379] : memref<2x16x64xi32, #tpu.memory_space<vmem>> -> memref<1x16x64xi32, #tpu.memory_space<vmem>>
          %dma_wait3A_381 = tpu.memref_squeeze %dma_wait3A_380 : memref<1x16x64xi32, #tpu.memory_space<vmem>> -> memref<16x64xi32, #tpu.memory_space<vmem>>
          %dma_wait3A_382 = arith.constant 0 : i32
          %dma_wait3A_383 = arith.constant 0 : i32
          %dma_wait3A_384 = tpu.memref_slice %arg3[%add3A, %dma_wait3A_382, %dma_wait3A_383] : memref<32x160x64xi32, #tpu.memory_space<hbm>> -> memref<1x16x64xi32, #tpu.memory_space<hbm>>
          %dma_wait3A_385 = tpu.memref_squeeze %dma_wait3A_384 : memref<1x16x64xi32, #tpu.memory_space<hbm>> -> memref<16x64xi32, #tpu.memory_space<hbm>>
          tpu.wait_dma2 semaphore(%dma_wait3A_377 : memref<!tpu.dma_semaphore, #tpu.memory_space<semaphore_mem>>) src(%dma_wait3A_385 : memref<16x64xi32, #tpu.memory_space<hbm>>) dst(%dma_wait3A_381 : memref<16x64xi32, #tpu.memory_space<vmem>>)
          %dma_wait3A_386 = arith.constant 0 : i32
          %dma_wait3A_387 = arith.constant 0 : i32
          %dma_wait3A_388 = tpu.memref_slice %arg7[%rem3A_367, %dma_wait3A_386, %dma_wait3A_387] : memref<2x16x64xi32, #tpu.memory_space<vmem>> -> memref<1x16x64xi32, #tpu.memory_space<vmem>>
          %dma_wait3A_389 = tpu.memref_squeeze %dma_wait3A_388 : memref<1x16x64xi32, #tpu.memory_space<vmem>> -> memref<16x64xi32, #tpu.memory_space<vmem>>
          %dma_wait3A_390 = arith.constant 0 : i32
          %dma_wait3A_391 = arith.constant 0 : i32
          %dma_wait3A_392 = tpu.memref_slice %arg4[%add3A, %dma_wait3A_390, %dma_wait3A_391] : memref<32x160x64xi32, #tpu.memory_space<hbm>> -> memref<1x16x64xi32, #tpu.memory_space<hbm>>
          %dma_wait3A_393 = tpu.memref_squeeze %dma_wait3A_392 : memref<1x16x64xi32, #tpu.memory_space<hbm>> -> memref<16x64xi32, #tpu.memory_space<hbm>>
          %dma_wait3A_394 = tpu.memref_slice %arg11[%rem3A_367] : memref<2x!tpu.dma_semaphore, #tpu.memory_space<semaphore_mem>> -> memref<1x!tpu.dma_semaphore, #tpu.memory_space<semaphore_mem>>
          %dma_wait3A_395 = tpu.memref_squeeze %dma_wait3A_394 : memref<1x!tpu.dma_semaphore, #tpu.memory_space<semaphore_mem>> -> memref<!tpu.dma_semaphore, #tpu.memory_space<semaphore_mem>>
          %dma_wait3A_396 = arith.constant 0 : i32
          %dma_wait3A_397 = arith.constant 0 : i32
          %dma_wait3A_398 = tpu.memref_slice %arg7[%rem3A_367, %dma_wait3A_396, %dma_wait3A_397] : memref<2x16x64xi32, #tpu.memory_space<vmem>> -> memref<1x16x64xi32, #tpu.memory_space<vmem>>
          %dma_wait3A_399 = tpu.memref_squeeze %dma_wait3A_398 : memref<1x16x64xi32, #tpu.memory_space<vmem>> -> memref<16x64xi32, #tpu.memory_space<vmem>>
          %dma_wait3A_400 = arith.constant 0 : i32
          %dma_wait3A_401 = arith.constant 0 : i32
          %dma_wait3A_402 = tpu.memref_slice %arg4[%add3A, %dma_wait3A_400, %dma_wait3A_401] : memref<32x160x64xi32, #tpu.memory_space<hbm>> -> memref<1x16x64xi32, #tpu.memory_space<hbm>>
          %dma_wait3A_403 = tpu.memref_squeeze %dma_wait3A_402 : memref<1x16x64xi32, #tpu.memory_space<hbm>> -> memref<16x64xi32, #tpu.memory_space<hbm>>
          tpu.wait_dma2 semaphore(%dma_wait3A_395 : memref<!tpu.dma_semaphore, #tpu.memory_space<semaphore_mem>>) src(%dma_wait3A_403 : memref<16x64xi32, #tpu.memory_space<hbm>>) dst(%dma_wait3A_399 : memref<16x64xi32, #tpu.memory_space<vmem>>)
        } else {
        }
        %rem3A_350 = arith.constant 2 : i32
        %rem3A_351 = arith.remsi %select_n3A_342, %rem3A_350 : i32
        %rem3A_352 = arith.constant 16 : i32
        %rem3A_353 = arith.remsi %add3A_313, %rem3A_352 : i32
        %dma_start3A_354 = arith.constant 0 : i32
        %dma_start3A_355 = arith.constant 0 : i32
        %dma_start3A_356 = tpu.memref_slice %arg8[%rem3A_266, %dma_start3A_354, %dma_start3A_355] : memref<5x64x128xf32, #tpu.memory_space<vmem>> -> memref<1x64x128xf32, #tpu.memory_space<vmem>>
        %dma_start3A_357 = tpu.memref_squeeze %dma_start3A_356 : memref<1x64x128xf32, #tpu.memory_space<vmem>> -> memref<64x128xf32, #tpu.memory_space<vmem>>
        %dma_start3A_358 = arith.constant 0 : i32
        %dma_start3A_359 = tpu.memref_slice %arg6[%rem3A_351, %rem3A_353, %dma_start3A_358] : memref<2x16x64xi32, #tpu.memory_space<vmem>> -> memref<1x1x64xi32, #tpu.memory_space<vmem>>
        %dma_start3A_360 = tpu.memref_squeeze %dma_start3A_359 : memref<1x1x64xi32, #tpu.memory_space<vmem>> -> memref<64xi32, #tpu.memory_space<vmem>>
        %dma_start3A_361 = arith.constant 0 : i32
        %dma_start3A_362 = arith.constant 0 : i32
        %dma_start3A_363 = tpu.memref_slice %arg2[%dma_start3A_361, %dma_start3A_362] : memref<10112x128xf32, #tpu.memory_space<hbm>> -> memref<10112x128xf32, #tpu.memory_space<hbm>>
        %dma_start3A_364 = tpu.memref_slice %arg10[%rem3A_266] : memref<5x!tpu.dma_semaphore, #tpu.memory_space<semaphore_mem>> -> memref<1x!tpu.dma_semaphore, #tpu.memory_space<semaphore_mem>>
        %dma_start3A_365 = tpu.memref_squeeze %dma_start3A_364 : memref<1x!tpu.dma_semaphore, #tpu.memory_space<semaphore_mem>> -> memref<!tpu.dma_semaphore, #tpu.memory_space<semaphore_mem>>
        tpu.enqueue_indirect_dma source(%dma_start3A_363 : memref<10112x128xf32, #tpu.memory_space<hbm>>) target(%dma_start3A_357 : memref<64x128xf32, #tpu.memory_space<vmem>>) offsets(%dma_start3A_360 : memref<64xi32, #tpu.memory_space<vmem>>) semaphore(%dma_start3A_365 : memref<!tpu.dma_semaphore, #tpu.memory_space<semaphore_mem>>)
      } else {
      }
    }
    %scan3A_259 = arith.constant 160 : i32
    %barrier3A_260 = arith.constant 0 : index
    tpu.barrier barrier_id(%barrier3A_260)
    %mul3A_261 = arith.constant 632 : i32
    %mul3A_262 = arith.muli %arg1, %mul3A_261 : i32
    %mul3A_263 = arith.constant 632 : i32
    %mul3A_264 = arith.muli %arg1, %mul3A_263 : i32
    "tpu.region"() ({
      %run_scoped3A_265 = tpu.sem_alloc : memref<!tpu.dma_semaphore, #tpu.memory_space<semaphore_mem>>
      %dma_start3A_266 = arith.constant 0 : i32
      %dma_start3A_267 = tpu.memref_slice %arg5[%arg0, %mul3A_264, %dma_start3A_266] : memref<2x10112x128xf32, #tpu.memory_space<hbm>> -> memref<1x632x128xf32, #tpu.memory_space<hbm>>
      %dma_start3A_268 = tpu.memref_squeeze %dma_start3A_267 : memref<1x632x128xf32, #tpu.memory_space<hbm>> -> memref<632x128xf32, #tpu.memory_space<hbm>>
      %dma_start3A_269 = arith.constant 0 : i32
      %dma_start3A_270 = tpu.memref_slice %arg9[%mul3A_262, %dma_start3A_269] : memref<10112x128xf32, #tpu.memory_space<vmem_shared>> -> memref<632x128xf32, #tpu.memory_space<vmem_shared>>
      tpu.enqueue_dma source(%dma_start3A_270 : memref<632x128xf32, #tpu.memory_space<vmem_shared>>) target(%dma_start3A_268 : memref<632x128xf32, #tpu.memory_space<hbm>>) target_semaphore(%run_scoped3A_265 : memref<!tpu.dma_semaphore, #tpu.memory_space<semaphore_mem>>)
      %dma_wait3A_271 = arith.constant 0 : i32
      %dma_wait3A_272 = tpu.memref_slice %arg5[%arg0, %mul3A_264, %dma_wait3A_271] : memref<2x10112x128xf32, #tpu.memory_space<hbm>> -> memref<1x632x128xf32, #tpu.memory_space<hbm>>
      %dma_wait3A_273 = tpu.memref_squeeze %dma_wait3A_272 : memref<1x632x128xf32, #tpu.memory_space<hbm>> -> memref<632x128xf32, #tpu.memory_space<hbm>>
      %dma_wait3A_274 = arith.constant 0 : i32
      %dma_wait3A_275 = tpu.memref_slice %arg9[%mul3A_262, %dma_wait3A_274] : memref<10112x128xf32, #tpu.memory_space<vmem_shared>> -> memref<632x128xf32, #tpu.memory_space<vmem_shared>>
      tpu.wait_dma2 semaphore(%run_scoped3A_265 : memref<!tpu.dma_semaphore, #tpu.memory_space<semaphore_mem>>) src(%dma_wait3A_275 : memref<632x128xf32, #tpu.memory_space<vmem_shared>>) dst(%dma_wait3A_273 : memref<632x128xf32, #tpu.memory_space<hbm>>)
      tpu.yield
    }) : () -> ()
    return
  }
}

module attributes {stable_mosaic.version = 14 : i64} {
  func.func @body(%arg0: memref<2x10240x1xf32, #tpu.memory_space<vmem>>, %arg1: memref<10000x128xf32, #tpu.memory_space<vmem>>, %arg2: memref<128x128xf32, #tpu.memory_space<vmem>>, %arg3: memref<10112x128xf32, #tpu.memory_space<vmem>>, %arg4: memref<10000x1xf32, #tpu.memory_space<vmem>>) attributes {dimension_semantics = [], scalar_prefetch = 0 : i64, scratch_operands = 0 : i64, tpu.core_type = #tpu.core_type<tc>} {
    %get3A = arith.constant 0 : index
    %get3A_0 = arith.constant 0 : index
    %get3A_1 = arith.constant 0 : index
    %get3A_2 = vector.load %arg0[%get3A, %get3A_0, %get3A_1] : memref<2x10240x1xf32, #tpu.memory_space<vmem>>, vector<1x10240x1xf32>
    %get3A_3 = vector.shape_cast %get3A_2 : vector<1x10240x1xf32> to vector<10240x1xf32>
    %get3A_4 = arith.constant 1 : index
    %get3A_5 = arith.constant 0 : index
    %get3A_6 = arith.constant 0 : index
    %get3A_7 = vector.load %arg0[%get3A_4, %get3A_5, %get3A_6] : memref<2x10240x1xf32, #tpu.memory_space<vmem>>, vector<1x10240x1xf32>
    %get3A_8 = vector.shape_cast %get3A_7 : vector<1x10240x1xf32> to vector<10240x1xf32>
    %add3A = arith.addf %get3A_3, %get3A_8 : vector<10240x1xf32>
    %add3A_9 = arith.constant 1.000000e+00 : f32
    %add3A_10 = vector.broadcast %add3A_9 : f32 to vector<10240x1xf32>
    %add3A_11 = arith.addf %add3A, %add3A_10 : vector<10240x1xf32>
    %rsqrt3A = math.rsqrt %add3A_11 : vector<10240x1xf32>
    %slice3A = vector.extract_strided_slice %rsqrt3A {offsets = [0, 0], sizes = [10000, 1], strides = [1, 1]} : vector<10240x1xf32> to vector<10000x1xf32>
    %get3A_12 = arith.constant 0 : index
    %get3A_13 = arith.constant 0 : index
    %get3A_14 = vector.load %arg1[%get3A_12, %get3A_13] : memref<10000x128xf32, #tpu.memory_space<vmem>>, vector<10000x128xf32>
    %get3A_15 = arith.constant 0 : index
    %get3A_16 = arith.constant 0 : index
    %get3A_17 = vector.load %arg2[%get3A_15, %get3A_16] : memref<128x128xf32, #tpu.memory_space<vmem>>, vector<128x128xf32>
    %dot_general3A = arith.constant dense<0.000000e+00> : vector<10000x128xf32>
    %dot_general3A_18 = tpu.matmul %get3A_14, %get3A_17, %dot_general3A {dimension_numbers = #tpu.dot_dimension_numbers<[1], [0], [0], [1], [0, 0, 1, 1], [], []>, transpose_lhs_hint = false} : vector<10000x128xf32>, vector<128x128xf32>, vector<10000x128xf32> -> vector<10000x128xf32>
    %mul3A = vector.broadcast %slice3A : vector<10000x1xf32> to vector<10000x128xf32>
    %mul3A_19 = arith.mulf %dot_general3A_18, %mul3A : vector<10000x128xf32>
    %swap3A = arith.constant 0 : index
    %swap3A_20 = arith.constant 0 : index
    %swap3A_21 = vector.load %arg3[%swap3A, %swap3A_20] : memref<10112x128xf32, #tpu.memory_space<vmem>>, vector<10000x128xf32>
    tpu.vector_store %arg3[%swap3A, %swap3A_20], %mul3A_19 {strides = array<i32>} : memref<10112x128xf32, #tpu.memory_space<vmem>>, vector<10000x128xf32>,
    %broadcast_in_dim3A = arith.constant 0.000000e+00 : f32
    %broadcast_in_dim3A_22 = vector.broadcast %broadcast_in_dim3A : f32 to vector<112x128xf32>
    %swap3A_23 = arith.constant 10000 : index
    %swap3A_24 = arith.constant 0 : index
    %swap3A_25 = vector.load %arg3[%swap3A_23, %swap3A_24] : memref<10112x128xf32, #tpu.memory_space<vmem>>, vector<112x128xf32>
    tpu.vector_store %arg3[%swap3A_23, %swap3A_24], %broadcast_in_dim3A_22 {strides = array<i32>} : memref<10112x128xf32, #tpu.memory_space<vmem>>, vector<112x128xf32>,
    %swap3A_26 = arith.constant 0 : index
    %swap3A_27 = arith.constant 0 : index
    %swap3A_28 = vector.load %arg4[%swap3A_26, %swap3A_27] : memref<10000x1xf32, #tpu.memory_space<vmem>>, vector<10000x1xf32>
    tpu.vector_store %arg4[%swap3A_26, %swap3A_27], %slice3A {strides = array<i32>} : memref<10000x1xf32, #tpu.memory_space<vmem>>, vector<10000x1xf32>,
    return
  }
}

module attributes {stable_mosaic.version = 14 : i64} {
  func.func @body(%arg0: memref<2x10112x128xf32, #tpu.memory_space<vmem>>, %arg1: memref<10112x128xf32, #tpu.memory_space<vmem>>, %arg2: memref<10000x1xf32, #tpu.memory_space<vmem>>, %arg3: memref<10000x128xf32, #tpu.memory_space<vmem>>, %arg4: memref<1x128xf32, #tpu.memory_space<vmem>>, %arg5: memref<1x128xf32, #tpu.memory_space<vmem>>, %arg6: memref<1x128xf32, #tpu.memory_space<vmem>>, %arg7: memref<10000x128xf32, #tpu.memory_space<vmem>>) attributes {dimension_semantics = [], scalar_prefetch = 0 : i64, scratch_operands = 0 : i64, tpu.core_type = #tpu.core_type<tc>} {
    %get3A = arith.constant 0 : index
    %get3A_0 = arith.constant 0 : index
    %get3A_1 = arith.constant 0 : index
    %get3A_2 = vector.load %arg0[%get3A, %get3A_0, %get3A_1] : memref<2x10112x128xf32, #tpu.memory_space<vmem>>, vector<1x10000x128xf32>
    %get3A_3 = vector.shape_cast %get3A_2 : vector<1x10000x128xf32> to vector<10000x128xf32>
    %get3A_4 = arith.constant 1 : index
    %get3A_5 = arith.constant 0 : index
    %get3A_6 = arith.constant 0 : index
    %get3A_7 = vector.load %arg0[%get3A_4, %get3A_5, %get3A_6] : memref<2x10112x128xf32, #tpu.memory_space<vmem>>, vector<1x10000x128xf32>
    %get3A_8 = vector.shape_cast %get3A_7 : vector<1x10000x128xf32> to vector<10000x128xf32>
    %add3A = arith.addf %get3A_3, %get3A_8 : vector<10000x128xf32>
    %get3A_9 = arith.constant 0 : index
    %get3A_10 = arith.constant 0 : index
    %get3A_11 = vector.load %arg1[%get3A_9, %get3A_10] : memref<10112x128xf32, #tpu.memory_space<vmem>>, vector<10000x128xf32>
    %add3A_12 = arith.addf %add3A, %get3A_11 : vector<10000x128xf32>
    %get3A_13 = arith.constant 0 : index
    %get3A_14 = arith.constant 0 : index
    %get3A_15 = vector.load %arg2[%get3A_13, %get3A_14] : memref<10000x1xf32, #tpu.memory_space<vmem>>, vector<10000x1xf32>
    %mul3A = vector.broadcast %get3A_15 : vector<10000x1xf32> to vector<10000x128xf32>
    %mul3A_16 = arith.mulf %add3A_12, %mul3A : vector<10000x128xf32>
    %get3A_17 = arith.constant 0 : index
    %get3A_18 = arith.constant 0 : index
    %get3A_19 = vector.load %arg4[%get3A_17, %get3A_18] : memref<1x128xf32, #tpu.memory_space<vmem>>, vector<1x128xf32>
    %add3A_20 = vector.broadcast %get3A_19 : vector<1x128xf32> to vector<10000x128xf32>
    %add3A_21 = arith.addf %mul3A_16, %add3A_20 : vector<10000x128xf32>
    %reduce_sum3A = arith.constant dense<0.000000e+00> : vector<128xf32>
    %reduce_sum3A_22 = vector.multi_reduction <add>, %add3A_21, %reduce_sum3A [0] : vector<10000x128xf32> to vector<128xf32>
    %broadcast_in_dim3A = vector.shape_cast %reduce_sum3A_22 : vector<128xf32> to vector<1x128xf32>
    %div3A = arith.constant 1.000000e+04 : f32
    %div3A_23 = vector.broadcast %div3A : f32 to vector<1x128xf32>
    %div3A_24 = arith.divf %broadcast_in_dim3A, %div3A_23 : vector<1x128xf32>
    %sub3A = vector.broadcast %div3A_24 : vector<1x128xf32> to vector<10000x128xf32>
    %sub3A_25 = arith.subf %add3A_21, %sub3A : vector<10000x128xf32>
    %mul3A_26 = arith.mulf %sub3A_25, %sub3A_25 : vector<10000x128xf32>
    %reduce_sum3A_27 = arith.constant dense<0.000000e+00> : vector<128xf32>
    %reduce_sum3A_28 = vector.multi_reduction <add>, %mul3A_26, %reduce_sum3A_27 [0] : vector<10000x128xf32> to vector<128xf32>
    %broadcast_in_dim3A_29 = vector.shape_cast %reduce_sum3A_28 : vector<128xf32> to vector<1x128xf32>
    %div3A_30 = arith.constant 1.000000e+04 : f32
    %div3A_31 = vector.broadcast %div3A_30 : f32 to vector<1x128xf32>
    %div3A_32 = arith.divf %broadcast_in_dim3A_29, %div3A_31 : vector<1x128xf32>
    %get3A_33 = arith.constant 0 : index
    %get3A_34 = arith.constant 0 : index
    %get3A_35 = vector.load %arg5[%get3A_33, %get3A_34] : memref<1x128xf32, #tpu.memory_space<vmem>>, vector<1x128xf32>
    %mul3A_36 = vector.broadcast %get3A_35 : vector<1x128xf32> to vector<10000x128xf32>
    %mul3A_37 = arith.mulf %mul3A_36, %sub3A_25 : vector<10000x128xf32>
    %add3A_38 = arith.constant 9.99999974E-6 : f32
    %add3A_39 = vector.broadcast %add3A_38 : f32 to vector<1x128xf32>
    %add3A_40 = arith.addf %div3A_32, %add3A_39 : vector<1x128xf32>
    %rsqrt3A = math.rsqrt %add3A_40 : vector<1x128xf32>
    %mul3A_41 = vector.broadcast %rsqrt3A : vector<1x128xf32> to vector<10000x128xf32>
    %mul3A_42 = arith.mulf %mul3A_37, %mul3A_41 : vector<10000x128xf32>
    %get3A_43 = arith.constant 0 : index
    %get3A_44 = arith.constant 0 : index
    %get3A_45 = vector.load %arg6[%get3A_43, %get3A_44] : memref<1x128xf32, #tpu.memory_space<vmem>>, vector<1x128xf32>
    %add3A_46 = vector.broadcast %get3A_45 : vector<1x128xf32> to vector<10000x128xf32>
    %add3A_47 = arith.addf %mul3A_42, %add3A_46 : vector<10000x128xf32>
    %max3A = arith.constant 0.000000e+00 : f32
    %max3A_48 = vector.broadcast %max3A : f32 to vector<10000x128xf32>
    %max3A_49 = arith.maximumf %add3A_47, %max3A_48 : vector<10000x128xf32>
    %get3A_50 = arith.constant 0 : index
    %get3A_51 = arith.constant 0 : index
    %get3A_52 = vector.load %arg3[%get3A_50, %get3A_51] : memref<10000x128xf32, #tpu.memory_space<vmem>>, vector<10000x128xf32>
    %add3A_53 = arith.addf %max3A_49, %get3A_52 : vector<10000x128xf32>
    %max3A_54 = arith.constant 0.000000e+00 : f32
    %max3A_55 = vector.broadcast %max3A_54 : f32 to vector<10000x128xf32>
    %max3A_56 = arith.maximumf %add3A_53, %max3A_55 : vector<10000x128xf32>
    %swap3A = arith.constant 0 : index
    %swap3A_57 = arith.constant 0 : index
    %swap3A_58 = vector.load %arg7[%swap3A, %swap3A_57] : memref<10000x128xf32, #tpu.memory_space<vmem>>, vector<10000x128xf32>
    tpu.vector_store %arg7[%swap3A, %swap3A_57], %max3A_56 {strides = array<i32>} : memref<10000x128xf32, #tpu.memory_space<vmem>>, vector<10000x128xf32>,
    return
  }
}

</mosaic_0001>

<sc_bundles>
// kernel: kernel.6.cloned.1.call-start
scs
__scs_entry_jumppad:
0x0: {  	(pc) =	sbr.rel $0x88, $3  }
0x1: {  	(tag) =	ssettag $0x0;
	lr =	simm.s32 $0x1  }
0x2: {  	[smem:$0x3F9B] =	sst lr;
	_ =	strace $0xD0000000  }
0x3: {  	_ = 	snop  }
0x4: {  	_ = 	snop  }
0x5: {  	_ = 	snop  }
0x6: {  	_ = 	snop  }
0x7: {  	_ = 	snop  }
__scs_overlays_trampoline_lowered:
0x8: {  	[smem:$0x3FAA] =	sst s0  }
0x9: {  	[smem:$0x3FAB] =	sst s1  }
0xa: {  	[smem:$0x3FAC] =	sst s2  }
0xb: {  	[smem:$0x3FAD] =	sst s3  }
0xc: {  	[smem:$0x3FAE] =	sst s4  }
0xd: {  	[smem:$0x3FAF] =	sst s5  }
0xe: {  	[smem:$0x3FB0] =	sst s6  }
0xf: {  	[smem:$0x3FB1] =	sst s7  }
0x10: {  	[smem:$0x3FB2] =	sst s8  }
0x11: {  	[smem:$0x3FB3] =	sst s9;
	s0 =	simm.s32 @!p0 $0x0  }
0x12: {  	s1 =	sld [smem:$0x3F99];
	s0 =	simm.s32 @p0 $0x1  }
0x13: {  	[smem:$0x3FB4] =	sst s0;
	s0 =	simm.s32 @!p1 $0x0  }
0x14: {  	s2 =	sld [smem:$0x3F98];
	s0 =	simm.s32 @p1 $0x1  }
0x15: {  	[smem:$0x3FB5] =	sst s0;
	s0 =	simm.s32 @!p2 $0x0  }
0x16: {  	s3 =	sld [smem:$0x3FDB];
	s0 =	simm.s32 @p2 $0x1  }
0x17: {  	s4 =	simm.s32 $0x1BF5;
	[smem:$0x3FB7] =	sst s0  }
0x18: {  	s0 =	sld [smem:$0x3F9A];
	_ =	swait.ge [sflag:s4], $0x0  }
0x19: {  	s7 =	sld [smem:$0x3F9B]  }
0x1a: {  	s8 =	sadd.s32 $0xFFFFE003, lr  }
0x1b: {  	s9 =	sadd.s32 $0xFFFFFEF7, lr;
	s5 =	simm.s32 $0xFFFFFFFF;
	p2 =	slt.u32 s8, $0xFFFFF086  }
0x1c: {  	p1 =	slt.u32 s9, $0xF7A;
	s5 =	simm.s32 @!p2 $0x0  }
0x1d: {  	s5 =	simm.s32 @p1 $0x1;
	p0 =	seq.s32 s7, s2  }
0x1e: {  	s7 =	smul.u32 @!p0 $0xF7A, s2;
	p2 =	seq.s32 @!p0 s5, $0x0  }
0x1f: {  	s9 =	smul.u32 $0xF7A, s1;
	s8 =	simm.s32 @!p0 $0x1BF5;
	p2 =	por !p2, p0  }
0x20: {  	[sflag:s8] =	ssyncset.s32 @!p0 $0xFFFFF086;
	s6 =	sadd.s32 @!p0 s3, s7;
	s7 =	simm.s32 @!p0 $0x108  }
0x21: {  	s3 =	sadd.s32 s3, s9;
	s6 =	sadd.s32 @!p0 $0x88, s6;
	s7 =	simm.s32 @p2 $0x1082  }
0x22: {  	[simem:s7], [sflag:s8] =	dma.local @!p0 [hbm:s6], $0xF7A  }
0x23: {  	s9 =	sor.u32 $0xD0000000, s2;
	s6 =	simm.s32 $0x108;
	_ =	swait.ge @!p0 [sflag:s8], $0x0  }
0x24: {  	s3 =	sadd.s32 $0x88, s3;
	s6 =	simm.s32 @!p1 $0x1082;
	[sflag:s4] =	ssyncset.s32 $0xFFFFF086  }
0x25: {  	[simem:s6], [sflag:s4] =	dma.local [hbm:s3], $0xF7A  }
0x26: {  	[smem:$0x3F9B] =	sst s1;
	(tag) =	ssettag s2;
	_ =	strace s9  }
0x27: {  	s1 =	sld [smem:$0x3FAB]  }
0x28: {  	s2 =	sld [smem:$0x3FAC]  }
0x29: {  	s4 =	sld [smem:$0x3FAE]  }
0x2a: {  	p0 =	seq.s32 s5, $0x0;
	s5 =	sld [smem:$0x3FAF]  }
0x2b: {  	s6 =	sld [smem:$0x3FB0]  }
0x2c: {  	s7 =	sld [smem:$0x3FB1]  }
0x2d: {  	s3 =	simm.s32 $0x108;
	s8 =	sld [smem:$0x3FB2]  }
0x2e: {  	s3 =	simm.s32 @!p0 $0x1082;
	s9 =	sld [smem:$0x3FB3]  }
0x2f: {  	lr =	sadd.s32 s0, s3;
	s0 =	sld [smem:$0x3FAA]  }
0x30: {  	s3 =	sld [smem:$0x3FAD]  }
0x31: {  	[smem:$0x3FB6] =	sst s10  }
0x32: {  	s10 =	sld [smem:$0x3FB4];
	_ =	sdelay $0x3  }
0x33: {  	p0 =	seq.s32 s10, $0x1;
	s10 =	sld [smem:$0x3FB6];
	_ =	sdelay $0x3  }
0x34: {  	[smem:$0x3FB6] =	sst s10  }
0x35: {  	s10 =	sld [smem:$0x3FB5];
	_ =	sdelay $0x3  }
0x36: {  	p1 =	seq.s32 s10, $0x1;
	s10 =	sld [smem:$0x3FB6];
	_ =	sdelay $0x3  }
0x37: {  	[smem:$0x3FB6] =	sst s10  }
0x38: {  	s10 =	sld [smem:$0x3FB7]  }
0x39: {  	_ = 	snop;
	(pc) =	sbr.ind lr, $3  }
0x3a: {  	_ = 	snop  }
0x3b: {  	_ = 	snop  }
0x3c: {  	p2 =	seq.s32 s10, $0x1;
	s10 =	sld [smem:$0x3FB6]  }
0x3d: {  	_ =	shalt  }
0x3e: {  	_ =	shalt  }
0x3f: {  	_ =	shalt  }
0x40: {  	_ =	shalt  }
0x41: {  	_ =	shalt  }
0x42: {  	_ =	shalt  }
0x43: {  	_ =	shalt  }
0x44: {  	_ =	shalt  }
0x45: {  	_ =	shalt  }
0x46: {  	_ =	shalt  }
0x47: {  	_ =	shalt  }
0x48: {  	_ =	shalt  }
0x49: {  	_ =	shalt  }
0x4a: {  	_ =	shalt  }
0x4b: {  	_ =	shalt  }
0x4c: {  	_ =	shalt  }
0x4d: {  	_ =	shalt  }
0x4e: {  	_ =	shalt  }
0x4f: {  	_ =	shalt  }
0x50: {  	_ =	shalt  }
0x51: {  	_ =	shalt  }
0x52: {  	_ =	shalt  }
0x53: {  	_ =	shalt  }
0x54: {  	_ =	shalt  }
0x55: {  	_ =	shalt  }
0x56: {  	_ =	shalt  }
0x57: {  	_ =	shalt  }
0x58: {  	_ =	shalt  }
0x59: {  	_ =	shalt  }
0x5a: {  	_ =	shalt  }
0x5b: {  	_ =	shalt  }
0x5c: {  	_ =	shalt  }
0x5d: {  	_ =	shalt  }
0x5e: {  	_ =	shalt  }
0x5f: {  	_ =	shalt  }
0x60: {  	_ =	shalt  }
0x61: {  	_ =	shalt  }
0x62: {  	_ =	shalt  }
0x63: {  	_ =	shalt  }
0x64: {  	_ =	shalt  }
0x65: {  	_ =	shalt  }
0x66: {  	_ =	shalt  }
0x67: {  	_ =	shalt  }
0x68: {  	_ =	shalt  }
0x69: {  	_ =	shalt  }
0x6a: {  	_ =	shalt  }
0x6b: {  	_ =	shalt  }
0x6c: {  	_ =	shalt  }
0x6d: {  	_ =	shalt  }
0x6e: {  	_ =	shalt  }
0x6f: {  	_ =	shalt  }
0x70: {  	_ =	shalt  }
0x71: {  	_ =	shalt  }
0x72: {  	_ =	shalt  }
0x73: {  	_ =	shalt  }
0x74: {  	_ =	shalt  }
0x75: {  	_ =	shalt  }
0x76: {  	_ =	shalt  }
0x77: {  	_ =	shalt  }
0x78: {  	_ =	shalt  }
0x79: {  	_ =	shalt  }
0x7a: {  	_ =	shalt  }
0x7b: {  	_ =	shalt  }
0x7c: {  	_ =	shalt  }
0x7d: {  	_ =	shalt  }
0x7e: {  	_ =	shalt  }
0x7f: {  	_ =	shalt  }
0x80: {  	_ =	shalt  }
0x81: {  	_ =	shalt  }
0x82: {  	_ =	shalt  }
0x83: {  	_ =	shalt  }
0x84: {  	_ =	shalt  }
0x85: {  	_ =	shalt  }
0x86: {  	_ =	shalt  }
0x87: {  	_ =	shalt  }
.Lfunc_end0:
.L_simem_size_0:
called_computation_lowered:
.L_overlay_start_0:
0x88: {  	s2 =	sld [smem:$0x3FD9]  }
0x89: {  	s3 =	sld [smem:$0x3FFE];
	_ =	sdelay $0x1  }
0x8a: {  	s1 =	srdreg.scid  }
0x8b: {  	s0 =	sand.u32 $0x1, s1  }
0x8c: {  	s17 =	sshll.u32 s0, $0xA;
	s2 =	sadd.s32 s3, s2  }
0x8d: {  	s2 =	sadd.s32 s2, s17  }
0x8e: {  	[smem:$0x3FC2] =	sst s2  }
0x8f: {  	_ = 	snop  }
0x90: {  	s2 =	sld [smem:$0x3FD0];
	(tm) =	ssettm $0x1  }
0x91: {  	s18 =	sld [smem:$0x3FFB];
	_ =	sdelay $0x3  }
0x92: {  	_ =	strace s18  }
0x93: {  	s3 =	sld [smem:$0x3FFC];
	_ =	sdelay $0x3  }
0x94: {  	_ =	strace s3  }
0x95: {  	s3 =	sld [smem:$0x3FFD];
	_ =	sdelay $0x3  }
0x96: {  	_ =	strace s3  }
0x97: {  	_ =	strace $0x8FFFFFFF  }
0x98: {  	s19 =	sld [smem:$0x3FDB];
	_ =	sdelay $0x1  }
0x99: {  	s4 =	simm.s32 $_scs_section_size  }
0x9a: {  	s5 =	simm.s32 $_size__tile_overlayer_lowered;
	s6 =	simm.s32 $_tile_overlayer_lowered  }
0x9b: {  	s22 =	simm.s32 $0x1BFF;
	s21 =	sshll.u32 s6, $0x1;
	s3 =	sadd.s32 s4, s19  }
0x9c: {  	s7 =	simm.s32 $0x0;
	s20 =	sshll.u32 s5, $0x1;
	s5 =	sadd.s32 s21, s3  }
0x9d: {  	[timem:s7], [sflag:s22] =	dma.local [hbm:s5], s20  }
0x9e: {  	_ =	swait.ge [sflag:s22], s20  }
0x9f: {  	s4 =	ssub.s32 $0x0, s20;
	[sflag:s22] =	ssyncset.done $0x0  }
0xa0: {  	[sflag:s22] =	ssyncadd.s32 s4;
	_ =	sdelay $0x1  }
0xa1: {  	s23 =	simm.s32 $0x1B8B  }
0xa2: {  	_ =	swait.ge [sflag:s23], $0x1  }
0xa3: {  	[sflag:s23] =	ssyncset.done $0x0  }
0xa4: {  	s25 =	simm.s32 $0x1B8E;
	s24 =	sld [smem:$0x3FFE];
	[sflag:s23] =	ssyncadd.s32 $0xFFFFFFFF  }
0xa5: {  	s26 =	simm.s32 $execute0_lowered;
	[smem:$0x3FD2] =	sst s25  }
0xa6: {  	s5 =	sshll.u32 s26, $0x1;
	_ =	strace $0x80000046;
	[dreg:$0x1] =	wrdreg $0xFFFFFFFF  }
0xa7: {  	s28 =	simm.s32 $_size_execute0_lowered;
	s3 =	sadd.s32 s3, s5;
	[dreg:$0x0] =	wrdreg $0x0  }
0xa8: {  	s5 =	sshll.u32 s28, $0x1;
	[dreg:$0x2] =	wrdreg s3  }
0xa9: {  	[dreg:$0x3] =	wrdreg s5  }
0xaa: {  	[dreg:$0x4] =	wrdreg $0xC0  }
0xab: {  	_ =	task [dreg:s7], $0x5FFFF  }
0xac: {  	[dreg:$0x1] =	wrdreg $0xFFFFFFFF  }
0xad: {  	[dreg:$0x0] =	wrdreg $0x60  }
0xae: {  	[dreg:$0x2] =	wrdreg s2  }
0xaf: {  	[dreg:$0x3] =	wrdreg s24  }
0xb0: {  	[dreg:$0x4] =	wrdreg $0x53000  }
0xb1: {  	[dreg:$0x5] =	wrdreg $0x9  }
0xb2: {  	_ =	task.clear_ibuf [dreg:s7], $0x6FFFF;
	_ =	strace $0x90000046  }
0xb3: {  	s29 =	simm.s32 $0x9;
	_ =	strace $0x80000048  }
0xb4: {  	_ =	swait.ge [sflag:s29], $0x1  }
0xb5: {  	[sflag:s29] =	ssyncadd.s32 $0xFFFFFFFF  }
0xb6: {  	_ =	strace $0x90000048  }
0xb7: {  	_ =	sfence  }
0xb8: {  	s30 =	sld [smem:$0x0];
	_ =	sdelay $0x2  }
0xb9: {  	s31 =	sshll.u32 s1, $0xD;
	s1 =	sshrl.u32 s1, $0x2  }
0xba: {  	s3 =	sand.u32 $0x4000, s31;
	s1 =	sadd.s32 s1, s30  }
0xbb: {  	s0 =	sor.u32 s3, s0;
	s1 =	sshll.u32 s1, $0x11  }
0xbc: {  	s0 =	sor.u32 s1, s0  }
0xbd: {  	s0 =	sadd.s32 $0x8F2B, s0  }
0xbe: {  	[sflag:s0] =	ssyncadd.remote.s32 $0x1  }
0xbf: {  	_ =	sfence.sel $0xFFFF  }
0xc0: {  	[dreg:$0x0] =	wrdreg $0xFFFFFFFF;
	(pc) =	sbr.abs _section_cstart, $3  }
0xc1: {  	[dreg:$0x1] =	wrdreg $0xFFFFFFFF  }
0xc2: {  	_ =	task.clear_ibuf [dreg:s7], $0x2FFFF;
	_ =	strace $0x9FFFFFFF  }
0xc3: {  	(tm) =	ssettm $0x7FFFFFFF  }
tec
execute0_lowered:
.L_overlay_start_1:
0x0: {  	(tag) =	ssettag $0x1  }
0x1: {  	s4 =	rddreg [dreg:$0x0]  }
0x2: {  	s5 =	rddreg [dreg:$0x1]  }
0x3: {  	s2 =	rddreg [dreg:$0x2]  }
0x4: {  	s0 =	rddreg [dreg:$0x3];
	s6 =	srdreg.scid  }
0x5: {  	s1 =	stileid.u32;
	s3 =	simm.s32 $0x0;
	s11 =	simm.s32 $0x5000  }
0x6: {  	s12 =	simm.s32 $0x1;
	s15 =	simm.s32 $0x20;
	s16 =	simm.s32 $0x10  }
0x7: {  	s17 =	simm.s32 $0x0;
	s6 =	sand.u32 $0x1, s6;
	s7 =	smul.u32 $0x500, s1  }
0x8: {  	[smem:$0x7FF] =	sst s3;
	s29 =	sshll.u32 s1, $0x1;
	s30 =	smul.u32 $0xA00, s1  }
0x9: {  	s13 =	sshll.u32 s1, $0x6;
	s8 =	sshll.u32 s6, $0x7;
	_ =	strace $0x80000047  }
0xa: {  	s9 =	ssub.s32 $0x2, s6;
	s6 =	sor.u32 s6, s29;
	s13 =	sor.u32 $0x1C02, s13  }
0xb: {  	s7 =	sor.u32 s8, s7;
	s10 =	sshrl.u32 s9, $0x1;
	s6 =	smul.u32 $0xA00, s6  }
0xc: {  	s31 =	sshrl.u32 s30, $0x2;
	s8 =	simm.s32 $0x2;
	s7 =	sshrl.u32 s7, $0x3  }
0xd: {  	s9 =	ssub.s32 s9, s10;
	s10 =	simm.s32 $0x40;
	s7 =	sadd.s32 s7, s5  }
0xe: {  	s4 =	sadd.s32 s4, s6;
	s5 =	sadd.s32 s31, s2;
	s6 =	sadd.s32 $0x1E00, s7  }
0xf: {  	v0 =	vimm.f32 $1.000000000e+00;
	v1 =	vimm.f32 $0.0e+00;
	s7 =	smax.u32 s9, $0x1;
	s9 =	simm.s32 $0x5080;
	s14 =	sshrl.u32 s5, $0x3  }
.LBB2_1:
0x10: {  	[tilespmem:s3], [sflag:$0x2] =	stream.linear.gather [hbm4b:s4+s3], $0x5000, $0x38;
	[tilespmem:$0x5580] =	vst v63  }
0x11: {  	_ =	swait.ge [sflag:s8], $0x5000  }
0x12: {  	[sflag:s8] =	ssyncset.done $0x0  }
0x13: {  	[sflag:s8] =	ssyncadd.s32 $0xFFFFB000  }
0x14: {  	[tilespmem:$0x5000] =	vst v0  }
0x15: {  	[tilespmem:$0x5010] =	vst v0  }
0x16: {  	[tilespmem:$0x5020] =	vst v0  }
0x17: {  	[tilespmem:$0x5030] =	vst v0  }
0x18: {  	[tilespmem:$0x5080] =	vst v1  }
0x19: {  	[tilespmem:$0x5090] =	vst v1  }
0x1a: {  	[tilespmem:$0x50A0] =	vst v1  }
0x1b: {  	[tilespmem:$0x50B0] =	vst v1  }
0x1c: {  	[tilespmem:$0x50C0] =	vst v1  }
0x1d: {  	[tilespmem:$0x50D0] =	vst v1  }
0x1e: {  	[tilespmem:$0x50E0] =	vst v1  }
0x1f: {  	[tilespmem:$0x50F0] =	vst v1  }
0x20: {  	[tilespmem:$0x5100] =	vst v1  }
0x21: {  	[tilespmem:$0x5110] =	vst v1  }
0x22: {  	[tilespmem:$0x5120] =	vst v1  }
0x23: {  	[tilespmem:$0x5130] =	vst v1  }
0x24: {  	[tilespmem:$0x5140] =	vst v1  }
0x25: {  	[tilespmem:$0x5150] =	vst v1  }
0x26: {  	[tilespmem:$0x5160] =	vst v1  }
0x27: {  	[tilespmem:$0x5170] =	vst v1  }
0x28: {  	[tilespmem:$0x5180] =	vst v1  }
0x29: {  	[tilespmem:$0x5190] =	vst v1  }
0x2a: {  	[tilespmem:$0x51A0] =	vst v1  }
0x2b: {  	[tilespmem:$0x51B0] =	vst v1  }
0x2c: {  	[tilespmem:$0x51C0] =	vst v1  }
0x2d: {  	[tilespmem:$0x51D0] =	vst v1  }
0x2e: {  	[tilespmem:$0x51E0] =	vst v1  }
0x2f: {  	[tilespmem:$0x51F0] =	vst v1  }
0x30: {  	[tilespmem:$0x5200] =	vst v1  }
0x31: {  	[tilespmem:$0x5210] =	vst v1  }
0x32: {  	[tilespmem:$0x5220] =	vst v1  }
0x33: {  	[tilespmem:$0x5230] =	vst v1  }
0x34: {  	[tilespmem:$0x5240] =	vst v1  }
0x35: {  	[tilespmem:$0x5250] =	vst v1  }
0x36: {  	[tilespmem:$0x5260] =	vst v1  }
0x37: {  	[tilespmem:$0x5270] =	vst v1  }
0x38: {  	[tilespmem:$0x5280] =	vst v1  }
0x39: {  	[tilespmem:$0x5290] =	vst v1  }
0x3a: {  	[tilespmem:$0x52A0] =	vst v1  }
0x3b: {  	[tilespmem:$0x52B0] =	vst v1  }
0x3c: {  	[tilespmem:$0x52C0] =	vst v1  }
0x3d: {  	[tilespmem:$0x52D0] =	vst v1  }
0x3e: {  	[tilespmem:$0x52E0] =	vst v1  }
0x3f: {  	[tilespmem:$0x52F0] =	vst v1  }
0x40: {  	[spmem:s5] =	stream.linear.scatter [tilespmem:s9], [sflag:$0x2], $0x280, $0x38;
	[tilespmem:$0x5580] =	vst v63  }
0x41: {  	_ =	swait.ge [sflag:s8], $0x280  }
0x42: {  	[sflag:s8] =	ssyncset.done $0x0  }
0x43: {  	p0 =	por $0x1, $0x1;
	[sflag:s8] =	ssyncadd.s32 $0xFFFFFD80  }
0x44: {  	s19 =	simm.s32 @!p0 $0x1;
	[bflag:$0x0] =	sbarrier.arrive $0xFFFF  }
0x45: {  	_ =	swait.ge @!p0 [sflag:s19], $0x40  }
0x46: {  	s18 =	simm.s32 $0x1;
	[sflag:s19] =	ssyncset.done @!p0 $0x0  }
0x47: {  	s20 =	simm.s32 $0x0;
	[sflag:s19] =	ssyncadd.s32 @!p0 $0xFFFFFFC0;
	s19 =	simm.s32 $0x80  }
.LBB2_2:
0x48: {  	[spmem:s2] =	stream.indirect.scatter.add.f32 [tilespmem:s11], [sflag:$0x1], $0x1, s20, s10, $0xb8;
	[tilespmem:$0x5580] =	vst v63  }
0x49: {  	p0 =	slt.u32 s18, $0x8;
	s18 =	sadd.s32 $0x1, s18  }
0x4a: {  	p1 =	sne.s32 s18, $0xA0  }
.Ltmp0:
0x4b: {  	(pc) =	sbr.rel @p1 .LBB2_2-.Ltmp0, $4  }
0x4c: {  	s20 =	smov.u32 s19;
	s21 =	simm.s32 @!p0 $0x1  }
0x4d: {  	_ =	swait.ge @!p0 [sflag:s21], $0x40  }
0x4e: {  	[sflag:s21] =	ssyncset.done @!p0 $0x0  }
0x4f: {  	s19 =	sadd.s32 $0x80, s19;
	[sflag:s21] =	ssyncadd.s32 @!p0 $0xFFFFFFC0  }
0x50: {  	[spmem:s2] =	stream.indirect.scatter.add.f32 [tilespmem:s11], [sflag:$0x1], $0x1, s20, s10, $0xb8;
	[tilespmem:$0x5580] =	vst v63  }
0x51: {  	_ =	swait.ge [sflag:s12], $0x40  }
0x52: {  	[sflag:s12] =	ssyncset.done $0x0  }
0x53: {  	[sflag:s12] =	ssyncadd.s32 $0xFFFFFFC0  }
0x54: {  	_ =	swait.ge [sflag:s12], $0x40  }
0x55: {  	[sflag:s12] =	ssyncset.done $0x0  }
0x56: {  	[sflag:s12] =	ssyncadd.s32 $0xFFFFFFC0  }
0x57: {  	_ =	swait.ge [sflag:s12], $0x40  }
0x58: {  	[sflag:s12] =	ssyncset.done $0x0  }
0x59: {  	[sflag:s12] =	ssyncadd.s32 $0xFFFFFFC0  }
0x5a: {  	_ =	swait.ge [sflag:s12], $0x40  }
0x5b: {  	[sflag:s12] =	ssyncset.done $0x0  }
0x5c: {  	[sflag:s12] =	ssyncadd.s32 $0xFFFFFFC0  }
0x5d: {  	_ =	swait.ge [sflag:s12], $0x40  }
0x5e: {  	[sflag:s12] =	ssyncset.done $0x0  }
0x5f: {  	[sflag:s12] =	ssyncadd.s32 $0xFFFFFFC0  }
0x60: {  	_ =	swait.ge [sflag:s12], $0x40  }
0x61: {  	[sflag:s12] =	ssyncset.done $0x0  }
0x62: {  	[sflag:s12] =	ssyncadd.s32 $0xFFFFFFC0  }
0x63: {  	_ =	swait.ge [sflag:s12], $0x40  }
0x64: {  	[sflag:s12] =	ssyncset.done $0x0  }
0x65: {  	[sflag:s12] =	ssyncadd.s32 $0xFFFFFFC0  }
0x66: {  	_ =	swait.ge [sflag:s12], $0x40  }
0x67: {  	s17 =	sadd.s32 $0x1, s17;
	[sflag:s12] =	ssyncset.done $0x0  }
0x68: {  	p0 =	sne.s32 s17, s7;
	[sflag:s12] =	ssyncadd.s32 $0xFFFFFFC0  }
.Ltmp1:
0x69: {  	[bflag:$0x0] =	sbarrier.arrive $0xFFFF;
	(pc) =	sbr.rel @p0 .LBB2_1-.Ltmp1, $4  }
0x6a: {  	[hbm:s6@s15], [sflag:s13] =	dma.strided [spmem:s14@s16], $0x50, s12, $0x10   }
0x6b: {  	_ =	swait.ge [sflag:s8], $0x50  }
0x6c: {  	[sflag:s8] =	ssyncset.done $0x0  }
0x6d: {  	[sflag:s8] =	ssyncadd.s32 $0xFFFFFFB0  }
0x6e: {  	_ =	sfence.sel $0x180000  }
0x6f: {  	[bflag:$0x0] =	sbarrier.arrive $0xFFFF  }
0x70: {  	p0 =	sne.s32 s1, $0x0;
	_ =	strace $0x90000047  }
0x71: {  	s0 =	sadd.s32 @!p0 $0x100000, s0;
	[bflag:$0x2] =	sbarrier.arrive $0xFFFF  }
0x72: {  	[sflag:s0] =	ssyncadd.tile.s32 @!p0 $0x1;
	_ =	shalt  }
.Lfunc_end2:
_tile_overlayer_lowered:
.L_overlay_start_2:
0x73: {  	(tag) =	ssettag $0x2  }
0x74: {  	s0 =	rddreg [dreg:$0x0];
	s2 =	stileid.u32  }
0x75: {  	s1 =	rddreg [dreg:$0x1];
	p0 =	sne.s32 s2, $0x0  }
0x76: {  	s3 =	rddreg [dreg:$0x2];
	[bflag:$0x3] =	sbarrier.arrive $0xFFFF;
	s2 =	simm.s32 @!p0 $0x1C02  }
0x77: {  	[timem:s3], [sflag:s2] =	dma.local @!p0 [hbm:s0], s1  }
0x78: {  	s0 =	simm.s32 @!p0 $0x2  }
0x79: {  	_ =	swait.ge @!p0 [sflag:s0], s1  }
0x7a: {  	s1 =	ssub.s32 @!p0 $0x0, s1;
	[sflag:s0] =	ssyncset.done @!p0 $0x0  }
0x7b: {  	[sflag:s0] =	ssyncadd.s32 @!p0 s1  }
0x7c: {  	[bflag:$0x3] =	sbarrier.arrive $0xFFFF  }
0x7d: {  	_ =	shalt  }

// kernel: kernel.9.cloned.1.call-start
scs
__scs_entry_jumppad:
0x0: {  	(pc) =	sbr.rel $0x88, $3  }
0x1: {  	(tag) =	ssettag $0x0;
	lr =	simm.s32 $0x1  }
0x2: {  	[smem:$0x3F9B] =	sst lr;
	_ =	strace $0xD0000000  }
0x3: {  	_ = 	snop  }
0x4: {  	_ = 	snop  }
0x5: {  	_ = 	snop  }
0x6: {  	_ = 	snop  }
0x7: {  	_ = 	snop  }
__scs_overlays_trampoline_lowered:
0x8: {  	[smem:$0x3FAA] =	sst s0  }
0x9: {  	[smem:$0x3FAB] =	sst s1  }
0xa: {  	[smem:$0x3FAC] =	sst s2  }
0xb: {  	[smem:$0x3FAD] =	sst s3  }
0xc: {  	[smem:$0x3FAE] =	sst s4  }
0xd: {  	[smem:$0x3FAF] =	sst s5  }
0xe: {  	[smem:$0x3FB0] =	sst s6  }
0xf: {  	[smem:$0x3FB1] =	sst s7  }
0x10: {  	[smem:$0x3FB2] =	sst s8  }
0x11: {  	[smem:$0x3FB3] =	sst s9;
	s0 =	simm.s32 @!p0 $0x0  }
0x12: {  	s1 =	sld [smem:$0x3F99];
	s0 =	simm.s32 @p0 $0x1  }
0x13: {  	[smem:$0x3FB4] =	sst s0;
	s0 =	simm.s32 @!p1 $0x0  }
0x14: {  	s2 =	sld [smem:$0x3F98];
	s0 =	simm.s32 @p1 $0x1  }
0x15: {  	[smem:$0x3FB5] =	sst s0;
	s0 =	simm.s32 @!p2 $0x0  }
0x16: {  	s3 =	sld [smem:$0x3FDB];
	s0 =	simm.s32 @p2 $0x1  }
0x17: {  	s4 =	simm.s32 $0x1BF5;
	[smem:$0x3FB7] =	sst s0  }
0x18: {  	s0 =	sld [smem:$0x3F9A];
	_ =	swait.ge [sflag:s4], $0x0  }
0x19: {  	s7 =	sld [smem:$0x3F9B]  }
0x1a: {  	s8 =	sadd.s32 $0xFFFFE003, lr  }
0x1b: {  	s9 =	sadd.s32 $0xFFFFFEF7, lr;
	s5 =	simm.s32 $0xFFFFFFFF;
	p2 =	slt.u32 s8, $0xFFFFF086  }
0x1c: {  	p1 =	slt.u32 s9, $0xF7A;
	s5 =	simm.s32 @!p2 $0x0  }
0x1d: {  	s5 =	simm.s32 @p1 $0x1;
	p0 =	seq.s32 s7, s2  }
0x1e: {  	s7 =	smul.u32 @!p0 $0xF7A, s2;
	p2 =	seq.s32 @!p0 s5, $0x0  }
0x1f: {  	s9 =	smul.u32 $0xF7A, s1;
	s8 =	simm.s32 @!p0 $0x1BF5;
	p2 =	por !p2, p0  }
0x20: {  	[sflag:s8] =	ssyncset.s32 @!p0 $0xFFFFF086;
	s6 =	sadd.s32 @!p0 s3, s7;
	s7 =	simm.s32 @!p0 $0x108  }
0x21: {  	s3 =	sadd.s32 s3, s9;
	s6 =	sadd.s32 @!p0 $0x88, s6;
	s7 =	simm.s32 @p2 $0x1082  }
0x22: {  	[simem:s7], [sflag:s8] =	dma.local @!p0 [hbm:s6], $0xF7A  }
0x23: {  	s9 =	sor.u32 $0xD0000000, s2;
	s6 =	simm.s32 $0x108;
	_ =	swait.ge @!p0 [sflag:s8], $0x0  }
0x24: {  	s3 =	sadd.s32 $0x88, s3;
	s6 =	simm.s32 @!p1 $0x1082;
	[sflag:s4] =	ssyncset.s32 $0xFFFFF086  }
0x25: {  	[simem:s6], [sflag:s4] =	dma.local [hbm:s3], $0xF7A  }
0x26: {  	[smem:$0x3F9B] =	sst s1;
	(tag) =	ssettag s2;
	_ =	strace s9  }
0x27: {  	s1 =	sld [smem:$0x3FAB]  }
0x28: {  	s2 =	sld [smem:$0x3FAC]  }
0x29: {  	s4 =	sld [smem:$0x3FAE]  }
0x2a: {  	p0 =	seq.s32 s5, $0x0;
	s5 =	sld [smem:$0x3FAF]  }
0x2b: {  	s6 =	sld [smem:$0x3FB0]  }
0x2c: {  	s7 =	sld [smem:$0x3FB1]  }
0x2d: {  	s3 =	simm.s32 $0x108;
	s8 =	sld [smem:$0x3FB2]  }
0x2e: {  	s3 =	simm.s32 @!p0 $0x1082;
	s9 =	sld [smem:$0x3FB3]  }
0x2f: {  	lr =	sadd.s32 s0, s3;
	s0 =	sld [smem:$0x3FAA]  }
0x30: {  	s3 =	sld [smem:$0x3FAD]  }
0x31: {  	[smem:$0x3FB6] =	sst s10  }
0x32: {  	s10 =	sld [smem:$0x3FB4];
	_ =	sdelay $0x3  }
0x33: {  	p0 =	seq.s32 s10, $0x1;
	s10 =	sld [smem:$0x3FB6];
	_ =	sdelay $0x3  }
0x34: {  	[smem:$0x3FB6] =	sst s10  }
0x35: {  	s10 =	sld [smem:$0x3FB5];
	_ =	sdelay $0x3  }
0x36: {  	p1 =	seq.s32 s10, $0x1;
	s10 =	sld [smem:$0x3FB6];
	_ =	sdelay $0x3  }
0x37: {  	[smem:$0x3FB6] =	sst s10  }
0x38: {  	s10 =	sld [smem:$0x3FB7]  }
0x39: {  	_ = 	snop;
	(pc) =	sbr.ind lr, $3  }
0x3a: {  	_ = 	snop  }
0x3b: {  	_ = 	snop  }
0x3c: {  	p2 =	seq.s32 s10, $0x1;
	s10 =	sld [smem:$0x3FB6]  }
0x3d: {  	_ =	shalt  }
0x3e: {  	_ =	shalt  }
0x3f: {  	_ =	shalt  }
0x40: {  	_ =	shalt  }
0x41: {  	_ =	shalt  }
0x42: {  	_ =	shalt  }
0x43: {  	_ =	shalt  }
0x44: {  	_ =	shalt  }
0x45: {  	_ =	shalt  }
0x46: {  	_ =	shalt  }
0x47: {  	_ =	shalt  }
0x48: {  	_ =	shalt  }
0x49: {  	_ =	shalt  }
0x4a: {  	_ =	shalt  }
0x4b: {  	_ =	shalt  }
0x4c: {  	_ =	shalt  }
0x4d: {  	_ =	shalt  }
0x4e: {  	_ =	shalt  }
0x4f: {  	_ =	shalt  }
0x50: {  	_ =	shalt  }
0x51: {  	_ =	shalt  }
0x52: {  	_ =	shalt  }
0x53: {  	_ =	shalt  }
0x54: {  	_ =	shalt  }
0x55: {  	_ =	shalt  }
0x56: {  	_ =	shalt  }
0x57: {  	_ =	shalt  }
0x58: {  	_ =	shalt  }
0x59: {  	_ =	shalt  }
0x5a: {  	_ =	shalt  }
0x5b: {  	_ =	shalt  }
0x5c: {  	_ =	shalt  }
0x5d: {  	_ =	shalt  }
0x5e: {  	_ =	shalt  }
0x5f: {  	_ =	shalt  }
0x60: {  	_ =	shalt  }
0x61: {  	_ =	shalt  }
0x62: {  	_ =	shalt  }
0x63: {  	_ =	shalt  }
0x64: {  	_ =	shalt  }
0x65: {  	_ =	shalt  }
0x66: {  	_ =	shalt  }
0x67: {  	_ =	shalt  }
0x68: {  	_ =	shalt  }
0x69: {  	_ =	shalt  }
0x6a: {  	_ =	shalt  }
0x6b: {  	_ =	shalt  }
0x6c: {  	_ =	shalt  }
0x6d: {  	_ =	shalt  }
0x6e: {  	_ =	shalt  }
0x6f: {  	_ =	shalt  }
0x70: {  	_ =	shalt  }
0x71: {  	_ =	shalt  }
0x72: {  	_ =	shalt  }
0x73: {  	_ =	shalt  }
0x74: {  	_ =	shalt  }
0x75: {  	_ =	shalt  }
0x76: {  	_ =	shalt  }
0x77: {  	_ =	shalt  }
0x78: {  	_ =	shalt  }
0x79: {  	_ =	shalt  }
0x7a: {  	_ =	shalt  }
0x7b: {  	_ =	shalt  }
0x7c: {  	_ =	shalt  }
0x7d: {  	_ =	shalt  }
0x7e: {  	_ =	shalt  }
0x7f: {  	_ =	shalt  }
0x80: {  	_ =	shalt  }
0x81: {  	_ =	shalt  }
0x82: {  	_ =	shalt  }
0x83: {  	_ =	shalt  }
0x84: {  	_ =	shalt  }
0x85: {  	_ =	shalt  }
0x86: {  	_ =	shalt  }
0x87: {  	_ =	shalt  }
.Lfunc_end0:
.L_simem_size_0:
called_computation.1_lowered:
.L_overlay_start_0:
0x88: {  	s2 =	sld [smem:$0x3FD9]  }
0x89: {  	s3 =	sld [smem:$0x3FFE];
	_ =	sdelay $0x1  }
0x8a: {  	s1 =	srdreg.scid  }
0x8b: {  	s0 =	sand.u32 $0x1, s1  }
0x8c: {  	s17 =	sshll.u32 s0, $0xA;
	s2 =	sadd.s32 s3, s2  }
0x8d: {  	s2 =	sadd.s32 s2, s17  }
0x8e: {  	[smem:$0x3FC2] =	sst s2  }
0x8f: {  	_ = 	snop  }
0x90: {  	s2 =	sld [smem:$0x3FD0];
	(tm) =	ssettm $0x1  }
0x91: {  	s18 =	sld [smem:$0x3FFB];
	_ =	sdelay $0x3  }
0x92: {  	_ =	strace s18  }
0x93: {  	s3 =	sld [smem:$0x3FFC];
	_ =	sdelay $0x3  }
0x94: {  	_ =	strace s3  }
0x95: {  	s3 =	sld [smem:$0x3FFD];
	_ =	sdelay $0x3  }
0x96: {  	_ =	strace s3  }
0x97: {  	_ =	strace $0x8FFFFFFF  }
0x98: {  	s19 =	sld [smem:$0x3FDB];
	_ =	sdelay $0x1  }
0x99: {  	s4 =	simm.s32 $_scs_section_size  }
0x9a: {  	s5 =	simm.s32 $_size__tile_overlayer_lowered;
	s6 =	simm.s32 $_tile_overlayer_lowered  }
0x9b: {  	s22 =	simm.s32 $0x1BFF;
	s21 =	sshll.u32 s6, $0x1;
	s3 =	sadd.s32 s4, s19  }
0x9c: {  	s7 =	simm.s32 $0x0;
	s20 =	sshll.u32 s5, $0x1;
	s5 =	sadd.s32 s21, s3  }
0x9d: {  	[timem:s7], [sflag:s22] =	dma.local [hbm:s5], s20  }
0x9e: {  	_ =	swait.ge [sflag:s22], s20  }
0x9f: {  	s4 =	ssub.s32 $0x0, s20;
	[sflag:s22] =	ssyncset.done $0x0  }
0xa0: {  	[sflag:s22] =	ssyncadd.s32 s4;
	_ =	sdelay $0x1  }
0xa1: {  	s23 =	simm.s32 $0x1B8B  }
0xa2: {  	_ =	swait.ge [sflag:s23], $0x1  }
0xa3: {  	[sflag:s23] =	ssyncset.done $0x0  }
0xa4: {  	s25 =	simm.s32 $0x1B8E;
	s24 =	sld [smem:$0x3FFE];
	[sflag:s23] =	ssyncadd.s32 $0xFFFFFFFF  }
0xa5: {  	s26 =	simm.s32 $execute0_lowered;
	[smem:$0x3FD2] =	sst s25  }
0xa6: {  	s5 =	sshll.u32 s26, $0x1;
	_ =	strace $0x80000049;
	[dreg:$0x1] =	wrdreg $0xFFFFFFFF  }
0xa7: {  	s28 =	simm.s32 $_size_execute0_lowered;
	s3 =	sadd.s32 s3, s5;
	[dreg:$0x0] =	wrdreg $0x0  }
0xa8: {  	s5 =	sshll.u32 s28, $0x1;
	[dreg:$0x2] =	wrdreg s3  }
0xa9: {  	[dreg:$0x3] =	wrdreg s5  }
0xaa: {  	[dreg:$0x4] =	wrdreg $0xC0  }
0xab: {  	_ =	task [dreg:s7], $0x5FFFF  }
0xac: {  	[dreg:$0x1] =	wrdreg $0xFFFFFFFF  }
0xad: {  	[dreg:$0x0] =	wrdreg $0x60  }
0xae: {  	[dreg:$0x2] =	wrdreg s24  }
0xaf: {  	[dreg:$0x3] =	wrdreg s2  }
0xb0: {  	[dreg:$0x4] =	wrdreg $0xC0000  }
0xb1: {  	[dreg:$0x5] =	wrdreg $0x9  }
0xb2: {  	_ =	task.clear_ibuf [dreg:s7], $0x6FFFF;
	_ =	strace $0x90000049  }
0xb3: {  	s29 =	simm.s32 $0x9;
	_ =	strace $0x8000004B  }
0xb4: {  	_ =	swait.ge [sflag:s29], $0x1  }
0xb5: {  	[sflag:s29] =	ssyncadd.s32 $0xFFFFFFFF  }
0xb6: {  	_ =	strace $0x9000004B  }
0xb7: {  	_ =	sfence  }
0xb8: {  	s30 =	sld [smem:$0x0];
	_ =	sdelay $0x2  }
0xb9: {  	s31 =	sshll.u32 s1, $0xD;
	s1 =	sshrl.u32 s1, $0x2  }
0xba: {  	s3 =	sand.u32 $0x4000, s31;
	s1 =	sadd.s32 s1, s30  }
0xbb: {  	s0 =	sor.u32 s3, s0;
	s1 =	sshll.u32 s1, $0x11  }
0xbc: {  	s0 =	sor.u32 s1, s0  }
0xbd: {  	s0 =	sadd.s32 $0x8F2B, s0  }
0xbe: {  	[sflag:s0] =	ssyncadd.remote.s32 $0x1  }
0xbf: {  	_ =	sfence.sel $0xFFFF  }
0xc0: {  	[dreg:$0x0] =	wrdreg $0xFFFFFFFF;
	(pc) =	sbr.abs _section_cstart, $3  }
0xc1: {  	[dreg:$0x1] =	wrdreg $0xFFFFFFFF  }
0xc2: {  	_ =	task.clear_ibuf [dreg:s7], $0x2FFFF;
	_ =	strace $0x9FFFFFFF  }
0xc3: {  	(tm) =	ssettm $0x7FFFFFFF  }
tec
execute0_lowered:
.L_overlay_start_1:
0x0: {  	(tag) =	ssettag $0x1  }
0x1: {  	s0 =	rddreg [dreg:$0x0]  }
0x2: {  	s1 =	rddreg [dreg:$0x1]  }
0x3: {  	s2 =	rddreg [dreg:$0x2];
	s3 =	srdreg.scid  }
0x4: {  	s4 =	simm.s32 $0x0;
	s11 =	stileid.u32;
	s28 =	simm.s32 $0x2000  }
0x5: {  	s29 =	simm.s32 $0x8;
	s30 =	simm.s32 $0x6;
	s7 =	smul.u32 $0x13C00, s11  }
0x6: {  	s3 =	sand.u32 $0x1, s3;
	s5 =	sshll.u32 s11, $0x1;
	s11 =	smul.u32 $0x4F000, s11  }
0x7: {  	s31 =	simm.s32 $0x40;
	[smem:$0x7FF] =	sst s4;
	s6 =	smul.u32 $0x13C000, s3  }
0x8: {  	_ =	strace $0x8000004A;
	s8 =	sor.u32 s3, s5;
	s5 =	sadd.s32 $0x16800, s0  }
0x9: {  	s3 =	ssub.s32 $0x2, s3;
	s9 =	sadd.s32 s7, s6;
	s6 =	smul.u32 $0x5000, s8  }
0xa: {  	s22 =	sshrl.u32 s3, $0x1;
	s13 =	sshrl.u32 s11, $0x2;
	s7 =	sadd.s32 $0x2800, s0  }
0xb: {  	s3 =	ssub.s32 s3, s22;
	s21 =	sshrl.u32 s9, $0x3;
	s10 =	sshrl.u32 s6, $0x3  }
0xc: {  	s0 =	sadd.s32 s21, s0;
	s23 =	sadd.s32 s7, s10;
	s24 =	sadd.s32 s1, s10  }
0xd: {  	s12 =	sor.u32 $0x100, s10;
	s22 =	sadd.s32 $0x3E000, s0;
	[dreg:$0x4] =	wrdreg s23  }
0xe: {  	[dreg:$0x5] =	wrdreg s24;
	s25 =	sadd.s32 s7, s12;
	s26 =	sadd.s32 s1, s12  }
.Ltmp0:
0xf: {  	s12 =	sadd.s32 s13, s2;
	[dreg:$0x6] =	wrdreg s25;
	(pc) =	sbr.rel .LBB2_1-.Ltmp0, $4  }
0x10: {  	s23 =	smax.u32 s3, $0x1;
	[dreg:$0x7] =	wrdreg s26;
	s13 =	sadd.s32 $0x2000, s12  }
0x11: {  	s14 =	sadd.s32 $0x4000, s12;
	s15 =	sadd.s32 $0x6000, s12;
	s16 =	sadd.s32 $0x8000, s12  }
0x12: {  	s17 =	sadd.s32 $0xA000, s12;
	s18 =	sadd.s32 $0xC000, s12;
	s19 =	sadd.s32 $0xE000, s12  }
0x13: {  	v0 =	vimm.f32 $0.0e+00;
	s20 =	sadd.s32 $0x10000, s12;
	s21 =	sadd.s32 $0x12000, s12;
	s25 =	simm.s32 $0x0  }
.LBB2_9:
0x14: {  	s0 =	stileid.u32;
	s25 =	sadd.s32 $0x1, s25  }
0x15: {  	[bflag:$0x0] =	sbarrier.arrive $0xFFFF;
	s0 =	sshll.u32 s0, $0x6;
	p0 =	sne.s32 s25, s23  }
.Ltmp1:
0x16: {  	s3 =	sshrl.u32 s12, $0x3;
	s0 =	sor.u32 $0x1C08, s0;
	(pc) =	sbr.rel @!p0 .LBB2_10-.Ltmp1, $4  }
0x17: {  	[hbm:s22], [sflag:s0] =	dma.local [spmem:s3], $0x2780  }
0x18: {  	_ =	swait.ge [sflag:s29], $0x2780  }
0x19: {  	[sflag:s29] =	ssyncset.done $0x0  }
0x1a: {  	[sflag:s29] =	ssyncadd.s32 $0xFFFFD880  }
.LBB2_1:
0x1b: {  	s0 =	rddreg [dreg:$0x4]  }
0x1c: {  	s9 =	rddreg [dreg:$0x5]  }
0x1d: {  	[tilespmem:s4], [sflag:$0x6] =	stream.linear.gather [hbm4b:s0+s4], $0x800, $0x38;
	[tilespmem:$0x1FC00] =	vst v63  }
0x1e: {  	s3 =	simm.s32 $0x1000;
	s10 =	rddreg [dreg:$0x6]  }
0x1f: {  	[tilespmem:s3], [sflag:$0x6] =	stream.linear.gather [hbm4b:s9+s4], $0x800, $0x38;
	[tilespmem:$0x1FC00] =	vst v63  }
0x20: {  	s11 =	simm.s32 $0x800;
	s24 =	rddreg [dreg:$0x7]  }
0x21: {  	[tilespmem:s11], [sflag:$0x7] =	stream.linear.gather [hbm4b:s10+s4], $0x800, $0x38;
	[tilespmem:$0x1FC00] =	vst v63  }
0x22: {  	s26 =	simm.s32 $0x1800;
	s0 =	simm.s32 $0x0;
	s3 =	simm.s32 $0x200  }
0x23: {  	[tilespmem:s26], [sflag:$0x7] =	stream.linear.gather [hbm4b:s24+s4], $0x800, $0x38;
	[tilespmem:$0x1FC00] =	vst v63  }
.LBB2_2:
0x24: {  	p0 =	sne.s32 s3, $0x7E00;
	[tilespmem:s0+$0x2070] =	vst v0  }
0x25: {  	[tilespmem:s0+$0x2000] =	vst v0  }
0x26: {  	[tilespmem:s0+$0x2010] =	vst v0  }
.Ltmp2:
0x27: {  	[tilespmem:s0+$0x2020] =	vst v0;
	(pc) =	sbr.rel @p0 .LBB2_2-.Ltmp2, $4  }
0x28: {  	[tilespmem:s0+$0x2030] =	vst v0  }
0x29: {  	[tilespmem:s0+$0x2040] =	vst v0  }
0x2a: {  	[tilespmem:s0+$0x2050] =	vst v0  }
0x2b: {  	[tilespmem:s0+$0x2060] =	vst v0;
	s0 =	sshra.s32 s3, $0x2;
	s3 =	sadd.s32 $0x200, s3  }
0x2c: {  	[tilespmem:s0+$0x2070] =	vst v0  }
0x2d: {  	[tilespmem:s0+$0x2000] =	vst v0  }
0x2e: {  	[tilespmem:s0+$0x2010] =	vst v0  }
0x2f: {  	[tilespmem:s0+$0x2020] =	vst v0  }
0x30: {  	[tilespmem:s0+$0x2030] =	vst v0  }
0x31: {  	[tilespmem:s0+$0x2040] =	vst v0  }
0x32: {  	[tilespmem:s0+$0x2050] =	vst v0  }
0x33: {  	[tilespmem:s0+$0x2060] =	vst v0  }
0x34: {  	[spmem:s12] =	stream.linear.scatter [tilespmem:s28], [sflag:$0x8], $0x2000, $0x38;
	[tilespmem:$0x1FC00] =	vst v63  }
0x35: {  	_ =	swait.ge [sflag:s29], $0x2000  }
0x36: {  	[sflag:s29] =	ssyncset.done $0x0  }
0x37: {  	[sflag:s29] =	ssyncadd.s32 $0xFFFFE000  }
0x38: {  	[spmem:s13] =	stream.linear.scatter [tilespmem:s28], [sflag:$0x8], $0x2000, $0x38;
	[tilespmem:$0x1FC00] =	vst v63  }
0x39: {  	_ =	swait.ge [sflag:s29], $0x2000  }
0x3a: {  	[sflag:s29] =	ssyncset.done $0x0  }
0x3b: {  	[sflag:s29] =	ssyncadd.s32 $0xFFFFE000  }
0x3c: {  	[spmem:s14] =	stream.linear.scatter [tilespmem:s28], [sflag:$0x8], $0x2000, $0x38;
	[tilespmem:$0x1FC00] =	vst v63  }
0x3d: {  	_ =	swait.ge [sflag:s29], $0x2000  }
0x3e: {  	[sflag:s29] =	ssyncset.done $0x0  }
0x3f: {  	[sflag:s29] =	ssyncadd.s32 $0xFFFFE000  }
0x40: {  	[spmem:s15] =	stream.linear.scatter [tilespmem:s28], [sflag:$0x8], $0x2000, $0x38;
	[tilespmem:$0x1FC00] =	vst v63  }
0x41: {  	_ =	swait.ge [sflag:s29], $0x2000  }
0x42: {  	[sflag:s29] =	ssyncset.done $0x0  }
0x43: {  	[sflag:s29] =	ssyncadd.s32 $0xFFFFE000  }
0x44: {  	[spmem:s16] =	stream.linear.scatter [tilespmem:s28], [sflag:$0x8], $0x2000, $0x38;
	[tilespmem:$0x1FC00] =	vst v63  }
0x45: {  	_ =	swait.ge [sflag:s29], $0x2000  }
0x46: {  	[sflag:s29] =	ssyncset.done $0x0  }
0x47: {  	[sflag:s29] =	ssyncadd.s32 $0xFFFFE000  }
0x48: {  	[spmem:s17] =	stream.linear.scatter [tilespmem:s28], [sflag:$0x8], $0x2000, $0x38;
	[tilespmem:$0x1FC00] =	vst v63  }
0x49: {  	_ =	swait.ge [sflag:s29], $0x2000  }
0x4a: {  	[sflag:s29] =	ssyncset.done $0x0  }
0x4b: {  	[sflag:s29] =	ssyncadd.s32 $0xFFFFE000  }
0x4c: {  	[spmem:s18] =	stream.linear.scatter [tilespmem:s28], [sflag:$0x8], $0x2000, $0x38;
	[tilespmem:$0x1FC00] =	vst v63  }
0x4d: {  	_ =	swait.ge [sflag:s29], $0x2000  }
0x4e: {  	[sflag:s29] =	ssyncset.done $0x0  }
0x4f: {  	[sflag:s29] =	ssyncadd.s32 $0xFFFFE000  }
0x50: {  	[spmem:s19] =	stream.linear.scatter [tilespmem:s28], [sflag:$0x8], $0x2000, $0x38;
	[tilespmem:$0x1FC00] =	vst v63  }
0x51: {  	_ =	swait.ge [sflag:s29], $0x2000  }
0x52: {  	[sflag:s29] =	ssyncset.done $0x0  }
0x53: {  	[sflag:s29] =	ssyncadd.s32 $0xFFFFE000  }
0x54: {  	[spmem:s20] =	stream.linear.scatter [tilespmem:s28], [sflag:$0x8], $0x2000, $0x38;
	[tilespmem:$0x1FC00] =	vst v63  }
0x55: {  	_ =	swait.ge [sflag:s29], $0x2000  }
0x56: {  	[sflag:s29] =	ssyncset.done $0x0  }
0x57: {  	[sflag:s29] =	ssyncadd.s32 $0xFFFFE000  }
0x58: {  	[spmem:s21] =	stream.linear.scatter [tilespmem:s28], [sflag:$0x8], $0x1C00, $0x38;
	[tilespmem:$0x1FC00] =	vst v63  }
0x59: {  	_ =	swait.ge [sflag:s29], $0x1C00  }
0x5a: {  	[sflag:s29] =	ssyncset.done $0x0  }
0x5b: {  	[sflag:s29] =	ssyncadd.s32 $0xFFFFE400  }
0x5c: {  	[bflag:$0x0] =	sbarrier.arrive $0xFFFF  }
0x5d: {  	_ =	swait.ge [sflag:s30], $0x800  }
0x5e: {  	[sflag:s30] =	ssyncset.done $0x0  }
0x5f: {  	[sflag:s30] =	ssyncadd.s32 $0xFFFFF800  }
0x60: {  	_ =	swait.ge [sflag:s30], $0x800  }
0x61: {  	[sflag:s30] =	ssyncset.done $0x0  }
0x62: {  	[sflag:s30] =	ssyncadd.s32 $0xFFFFF800  }
0x63: {  	[tilespmem:s28], [sflag:$0x1] =	stream.indirect.gather [hbm4b:s5+s31], $0x80, s4, s31, $0xb8;
	[tilespmem:$0x1FC00] =	vst v63  }
0x64: {  	s26 =	simm.s32 $0x80;
	s3 =	simm.s32 $0x4000  }
0x65: {  	[tilespmem:s3], [sflag:$0x2] =	stream.indirect.gather [hbm4b:s5+s31], $0x80, s26, s31, $0xb8;
	[tilespmem:$0x1FC00] =	vst v63  }
0x66: {  	s8 =	simm.s32 $0x100;
	s9 =	simm.s32 $0x6000  }
0x67: {  	[tilespmem:s9], [sflag:$0x3] =	stream.indirect.gather [hbm4b:s5+s31], $0x80, s8, s31, $0xb8;
	[tilespmem:$0x1FC00] =	vst v63  }
.Ltmp3:
0x68: {  	_ = 	snop;
	(pc) =	sbr.rel .LBB2_4-.Ltmp3, $4  }
0x69: {  	s10 =	simm.s32 $0x180;
	s11 =	simm.s32 $0x8000  }
0x6a: {  	[tilespmem:s11], [sflag:$0x4] =	stream.indirect.gather [hbm4b:s5+s31], $0x80, s10, s31, $0xb8;
	[tilespmem:$0x1FC00] =	vst v63  }
0x6b: {  	s24 =	simm.s32 $0x200;
	s26 =	simm.s32 $0xA000;
	s3 =	simm.s32 $0xFFFFFFFF  }
0x6c: {  	[tilespmem:s26], [sflag:$0x5] =	stream.indirect.gather [hbm4b:s5+s31], $0x80, s24, s31, $0xb8;
	[tilespmem:$0x1FC00] =	vst v63  }
.LBB2_5:
0x6d: {  	s8 =	sshrl.u32 s26, $0x4  }
0x6e: {  	s8 =	sadd.s32 $0x1, s8  }
0x6f: {  	s9 =	sshll.u32 s8, $0xB  }
0x70: {  	s9 =	sadd.s32 s6, s9  }
0x71: {  	s8 =	sand.u32 $0x1, s8;
	s9 =	sshrl.u32 s9, $0x3  }
0x72: {  	s10 =	sor.u32 $0x6, s8;
	s8 =	sshll.u32 s8, $0xB;
	s11 =	sadd.s32 s7, s9  }
0x73: {  	[tilespmem:s8], [sflag:s10] =	stream.linear.gather [hbm4b:s11+s4], $0x800, $0x38;
	[tilespmem:$0x1FC00] =	vst v63  }
0x74: {  	s9 =	sadd.s32 s1, s9;
	s8 =	sor.u32 $0x1000, s8  }
0x75: {  	[tilespmem:s8], [sflag:s10] =	stream.linear.gather [hbm4b:s9+s4], $0x800, $0x38;
	[tilespmem:$0x1FC00] =	vst v63  }
.LBB2_7:
0x76: {  	s3 =	sadd.s32 $0x6, s3  }
0x77: {  	s8 =	sand.u32 $0xF, s3  }
0x78: {  	s3 =	sshrl.u32 s3, $0x4;
	p0 =	sne.s32 s8, $0x0  }
0x79: {  	s9 =	sand.u32 @!p0 $0x1, s3  }
0x7a: {  	s9 =	sor.u32 @!p0 $0x6, s9  }
0x7b: {  	_ =	swait.ge @!p0 [sflag:s9], $0x800  }
0x7c: {  	[sflag:s9] =	ssyncset.done @!p0 $0x0  }
0x7d: {  	[sflag:s9] =	ssyncadd.s32 @!p0 $0xFFFFF800  }
0x7e: {  	s3 =	sshll.u32 s3, $0xB;
	_ =	swait.ge @!p0 [sflag:s9], $0x800  }
0x7f: {  	s8 =	sshll.u32 s8, $0x7;
	s3 =	sand.u32 $0x800, s3;
	[sflag:s9] =	ssyncset.done @!p0 $0x0  }
0x80: {  	s3 =	sor.u32 s8, s3;
	[sflag:s9] =	ssyncadd.s32 @!p0 $0xFFFFF800  }
0x81: {  	[tilespmem:s24], [sflag:s0] =	stream.indirect.gather [hbm4b:s5+s31], $0x80, s3, s31, $0xb8;
	[tilespmem:$0x1FC00] =	vst v63  }
.LBB2_8:
0x82: {  	p0 =	sne.s32 s26, $0x9F  }
.Ltmp4:
0x83: {  	_ = 	snop;
	(pc) =	sbr.rel @!p0 .LBB2_9-.Ltmp4, $2  }
0x84: {  	_ =	sdelay $0x2  }
0x85: {  	s3 =	smov.u32 s26  }
.LBB2_4:
0x86: {  	s26 =	sadd.s32 $0x1, s3  }
0x87: {  	s0 =	smul.u32 $0xCD, s26;
	_ =	sdelay $0x1  }
0x88: {  	s0 =	sshrl.u32 s0, $0xA  }
0x89: {  	s0 =	sand.u32 $0x3F, s0  }
0x8a: {  	s0 =	smul.u32 $0x5, s0;
	_ =	sdelay $0x1  }
0x8b: {  	s8 =	sand.u32 $0xF, s26;
	s9 =	sshll.u32 s26, $0x7;
	s0 =	ssub.s32 s26, s0  }
0x8c: {  	s9 =	sand.u32 $0x800, s9;
	s10 =	sshll.u32 s8, $0x7;
	s24 =	sand.u32 $0xFF, s0  }
0x8d: {  	p0 =	sne.s32 s8, $0x0;
	s9 =	sor.u32 s10, s9;
	s0 =	sadd.s32 $0x1, s24  }
0x8e: {  	p1 =	sgt.u32 @!p0 s3, $0x8E;
	s9 =	sor.u32 $0x1000, s9;
	_ =	swait.ge [sflag:s0], $0x2000  }
0x8f: {  	p0 =	por p0, p1;
	s24 =	sshll.u32 s24, $0xD;
	[sflag:s0] =	ssyncset.done $0x0  }
.Ltmp5:
0x90: {  	s24 =	sadd.s32 $0x2000, s24;
	[sflag:s0] =	ssyncadd.s32 $0xFFFFE000;
	(pc) =	sbr.rel @!p0 .LBB2_5-.Ltmp5, $4  }
0x91: {  	[spmem:s2] =	stream.indirect.scatter.add.f32 [tilespmem:s24], [sflag:$0x8], $0x80, s9, s31, $0xb8;
	[tilespmem:$0x1FC00] =	vst v63  }
0x92: {  	_ =	swait.ge [sflag:s29], $0x2000  }
0x93: {  	[sflag:s29] =	ssyncset.done $0x0  }
0x94: {  	[sflag:s29] =	ssyncadd.s32 $0xFFFFE000  }
0x95: {  	p0 =	sgt.u32 s26, $0x9A  }
.Ltmp6:
0x96: {  	_ = 	snop;
	(pc) =	sbr.rel @p0 .LBB2_8-.Ltmp6, $4  }
.Ltmp7:
0x97: {  	_ = 	snop;
	(pc) =	sbr.rel @!p0 .LBB2_7-.Ltmp7, $4  }
0x98: {  	_ = 	snop  }
0x99: {  	_ = 	snop  }
0x9a: {  	_ = 	snop  }
0x9b: {  	_ = 	snop  }
.LBB2_10:
0x9c: {  	_ =	sfence.sel $0x180000  }
0x9d: {  	[bflag:$0x0] =	sbarrier.arrive $0xFFFF  }
0x9e: {  	_ =	strace $0x9000004A  }
0x9f: {  	s0 =	stileid.u32;
	[bflag:$0x2] =	sbarrier.arrive $0xFFFF  }
0xa0: {  	p0 =	sne.s32 s0, $0x0;
	s0 =	rddreg [dreg:$0x3]  }
0xa1: {  	s0 =	sadd.s32 @!p0 $0x100000, s0  }
0xa2: {  	[sflag:s0] =	ssyncadd.tile.s32 @!p0 $0x1;
	_ =	shalt  }
.Lfunc_end2:
_tile_overlayer_lowered:
.L_overlay_start_2:
0xa3: {  	(tag) =	ssettag $0x2  }
0xa4: {  	s0 =	rddreg [dreg:$0x0];
	s2 =	stileid.u32  }
0xa5: {  	s1 =	rddreg [dreg:$0x1];
	p0 =	sne.s32 s2, $0x0  }
0xa6: {  	s3 =	rddreg [dreg:$0x2];
	[bflag:$0x3] =	sbarrier.arrive $0xFFFF;
	s2 =	simm.s32 @!p0 $0x1C08  }
0xa7: {  	[timem:s3], [sflag:s2] =	dma.local @!p0 [hbm:s0], s1  }
0xa8: {  	s0 =	simm.s32 @!p0 $0x8  }
0xa9: {  	_ =	swait.ge @!p0 [sflag:s0], s1  }
0xaa: {  	s1 =	ssub.s32 @!p0 $0x0, s1;
	[sflag:s0] =	ssyncset.done @!p0 $0x0  }
0xab: {  	[sflag:s0] =	ssyncadd.s32 @!p0 s1  }
0xac: {  	[bflag:$0x3] =	sbarrier.arrive $0xFFFF  }
0xad: {  	_ =	shalt  }

</sc_bundles>
